<compile_context>
chip_gen: v7x
topology: tpu7x:2x2x1
jax: 0.10.2.dev20260603
libtpu: 0.0.44.dev20260713+nightly
codegen_flags: <defaults>
</compile_context>

<pallas_src>
import functools

import jax
import jax.numpy as jnp
import numpy as np
from jax import lax
from jax.experimental import pallas as pl
from jax.experimental.pallas import tpu as pltpu
from jax.experimental.pallas import tpu_sc as plsc

_VOCAB = 100000
_D = 512
_NTOK = 100
_NPAD = 128
_B = 1024
_L = 200

_NW = 32
_ROWS_PER_W = _B // _NW
_ROW_BLK = 2000
_GRID = _VOCAB // _ROW_BLK


def _sin_pe(seq_len, d_model):
    pos = np.arange(seq_len, dtype=np.float32)[:, None]
    div = np.exp(np.arange(0, d_model, 2, dtype=np.float32)
                 * (-np.log(10000.0) / d_model))
    pe = np.zeros((seq_len, d_model), dtype=np.float32)
    pe[:, 0::2] = np.sin(pos * div)
    pe[:, 1::2] = np.cos(pos * div)
    return pe


_PE = _sin_pe(_L, _D)


def _proj_body(emb_ref, wt_ref, pe_ref, b_ref, p_ref, pep_ref):
    p_ref[...] = jnp.dot(emb_ref[...], wt_ref[...],
                         preferred_element_type=jnp.float32)

    @pl.when(pl.program_id(0) == 0)
    def _():
        pep_ref[...] = (jnp.dot(pe_ref[...], wt_ref[...],
                                preferred_element_type=jnp.float32)
                        + b_ref[...])


def _project_table(emb_table, wt, b2d):
    return pl.pallas_call(
        _proj_body,
        grid=(_GRID,),
        in_specs=[
            pl.BlockSpec((_ROW_BLK, _D), lambda i: (i, 0)),
            pl.BlockSpec((_D, _NPAD), lambda i: (0, 0)),
            pl.BlockSpec((_L, _D), lambda i: (0, 0)),
            pl.BlockSpec((1, _NPAD), lambda i: (0, 0)),
        ],
        out_specs=[
            pl.BlockSpec((_ROW_BLK, _NPAD), lambda i: (i, 0)),
            pl.BlockSpec((_L, _NPAD), lambda i: (0, 0)),
        ],
        out_shape=[
            jax.ShapeDtypeStruct((_VOCAB, _NPAD), jnp.float32),
            jax.ShapeDtypeStruct((_L, _NPAD), jnp.float32),
        ],
    )(emb_table, wt, jnp.asarray(_PE), b2d)


def _gather_body(p_hbm, x_hbm, pep_hbm, out_hbm, idx_v, rows_v, pep_v, sem):
    wid = lax.axis_index("s") * 2 + lax.axis_index("c")
    pltpu.sync_copy(pep_hbm, pep_v)

    def per_row(r, carry):
        row = wid * _ROWS_PER_W + r
        pltpu.sync_copy(x_hbm.at[row], idx_v)
        d0 = pltpu.async_copy(p_hbm.at[idx_v.at[0]],
                              rows_v.at[pl.ds(0, _L // 2)], sem)
        d1 = pltpu.async_copy(p_hbm.at[idx_v.at[1]],
                              rows_v.at[pl.ds(_L // 2, _L // 2)], sem)
        d0.wait()
        d1.wait()

        def add_pe(j, c2):
            for c in range(_NPAD // 16):
                v = pep_v[j, pl.ds(c * 16, 16)]
                plsc.addupdate(rows_v.at[j, pl.ds(c * 16, 16)], v)
            return c2

        lax.fori_loop(0, _L, add_pe, 0, unroll=2)
        pltpu.sync_copy(rows_v, out_hbm.at[row])
        return carry

    lax.fori_loop(0, _ROWS_PER_W, per_row, 0)


_gather_pe = functools.partial(
    pl.kernel,
    out_type=jax.ShapeDtypeStruct((_B, _L, _NPAD), jnp.float32),
    mesh=plsc.VectorSubcoreMesh(core_axis_name="c", subcore_axis_name="s",
                                num_cores=2, num_subcores=16),
    scratch_types=[
        pltpu.VMEM((2, _L // 2), jnp.int32),
        pltpu.VMEM((_L, _NPAD), jnp.float32),
        pltpu.VMEM((_L, _NPAD), jnp.float32),
        pltpu.SemaphoreType.DMA,
    ],
)(_gather_body)


def kernel(x, emb_table, W_out, b_out):
    wt = jnp.pad(W_out, ((0, _NPAD - _NTOK), (0, 0))).T
    b2d = jnp.pad(b_out, (0, _NPAD - _NTOK)).reshape(1, _NPAD)
    p, pep = _project_table(emb_table, wt, b2d)
    out = _gather_pe(p, x.reshape(_B, 2, _L // 2), pep)
    return out[:, :, :_NTOK]

# --- scband reference (transcript-rebuilt; emitter-appended) ---
"""Pipeline reference for scband-base-model-39788577030358 (READ-ONLY COPY).

The authoritative reference and input builder live on the scoring server;
editing this copy changes nothing except your own understanding.
"""

import jax, jax.numpy as jnp
import numpy as np

VOCAB = 100000
EMB_DIM = 512
NUM_TOKEN = 100
B, L = 1024, 200


def _sinusoidal_pe(seq_len, d_model):
    pos = np.arange(seq_len, dtype=np.float32)[:, None]
    div = np.exp(np.arange(0, d_model, 2, dtype=np.float32) * (-np.log(10000.0) / d_model))
    pe = np.zeros((seq_len, d_model), dtype=np.float32)
    pe[:, 0::2] = np.sin(pos * div)
    pe[:, 1::2] = np.cos(pos * div)
    return jnp.asarray(pe)


def setup_inputs(seed: int = 0) -> dict:
    key = jax.random.key(seed)
    k1, k2, k3 = jax.random.split(key, 3)
    x = jax.random.randint(k1, (B, L), 0, VOCAB, dtype=jnp.int32)
    # init_weights(): uniform(-0.1, 0.1) for embedding and output weight, zero bias
    emb_table = jax.random.uniform(k2, (VOCAB, EMB_DIM), minval=-0.1, maxval=0.1, dtype=jnp.float32)
    W_out = jax.random.uniform(k3, (NUM_TOKEN, EMB_DIM), minval=-0.1, maxval=0.1, dtype=jnp.float32)
    b_out = jnp.zeros((NUM_TOKEN,), dtype=jnp.float32)
    return {"x": x, "emb_table": emb_table, "W_out": W_out, "b_out": b_out}


def reference(x, emb_table, W_out, b_out):
    # embedding lookup (gather)
    h = jnp.take(emb_table, x, axis=0)  # [B, L, EMB_DIM]
    # positional encoder: add sinusoidal positional encoding
    pe = _sinusoidal_pe(h.shape[1], h.shape[2])
    h = h + pe[None, :, :]
    # output layer
    logits = jnp.einsum('bld,nd->bln', h, W_out) + b_out
    return logits

if __name__ == "__main__":
    import jax
    _d = setup_inputs()
    print(jax.jit(kernel)(*tuple(_d.values())))

</pallas_src>

<mosaic_0001>
#map = affine_map<(d0, d1) -> (0, 0)>
#map1 = affine_map<(d0, d1) -> (0, 0, 0)>
module attributes {stable_mosaic.version = 14 : i64} {
  func.func @_gather_body(%arg0: i32, %arg1: i32, %arg2: memref<100000x128xf32, #tpu.memory_space<hbm>>, %arg3: memref<1024x2x100xi32, #tpu.memory_space<hbm>>, %arg4: memref<200x128xf32, #tpu.memory_space<hbm>>, %arg5: memref<1024x200x128xf32, #tpu.memory_space<hbm>>, %arg6: memref<2x100xi32, #tpu.memory_space<vmem>>, %arg7: memref<200x128xf32, #tpu.memory_space<vmem>>, %arg8: memref<200x128xf32, #tpu.memory_space<vmem>>, %arg9: memref<!tpu.dma_semaphore, #tpu.memory_space<semaphore_mem>>) attributes {dimension_semantics = [#tpu.dimension_semantics<core_parallel>, #tpu.dimension_semantics<subcore_parallel>], iteration_bounds = array<i64: 2, 16>, scalar_prefetch = 0 : i64, scratch_operands = 4 : i64, tpu.core_type = #tpu.core_type<sc_vector_subcore>, window_params = [{transform_indices = #map}, {transform_indices = #map1}, {transform_indices = #map}, {transform_indices = #map1}]} {
    %mul3A = arith.constant 2 : i32
    %mul3A_0 = arith.muli %arg1, %mul3A : i32
    %add3A = arith.addi %mul3A_0, %arg0 : i32
    "tpu.region"() ({
      %run_scoped3A = tpu.sem_alloc : memref<!tpu.dma_semaphore, #tpu.memory_space<semaphore_mem>>
      tpu.enqueue_dma source(%arg4 : memref<200x128xf32, #tpu.memory_space<hbm>>) target(%arg8 : memref<200x128xf32, #tpu.memory_space<vmem>>) target_semaphore(%run_scoped3A : memref<!tpu.dma_semaphore, #tpu.memory_space<semaphore_mem>>)
      tpu.wait_dma2 semaphore(%run_scoped3A : memref<!tpu.dma_semaphore, #tpu.memory_space<semaphore_mem>>) src(%arg4 : memref<200x128xf32, #tpu.memory_space<hbm>>) dst(%arg8 : memref<200x128xf32, #tpu.memory_space<vmem>>)
      tpu.yield
    }) : () -> ()
    %scan3A = arith.constant 0 : i32
    %scan3A_1 = arith.constant 0 : i32
    %scan3A_2 = arith.constant 32 : i32
    %scan3A_3 = arith.addi %scan3A_1, %scan3A_2 : i32
    %scan3A_4 = arith.constant 1 : i32
    scf.for %scan3A_6 = %scan3A_1 to %scan3A_3 step %scan3A_4  : i32 {
      %mul3A_7 = arith.constant 32 : i32
      %mul3A_8 = arith.muli %add3A, %mul3A_7 : i32
      %add3A_9 = arith.addi %mul3A_8, %scan3A_6 : i32
      "tpu.region"() ({
        %run_scoped3A = tpu.sem_alloc : memref<!tpu.dma_semaphore, #tpu.memory_space<semaphore_mem>>
        %dma_start3A_54 = arith.constant 0 : i32
        %dma_start3A_55 = arith.constant 0 : i32
        %dma_start3A_56 = tpu.memref_slice %arg3[%add3A_9, %dma_start3A_54, %dma_start3A_55] : memref<1024x2x100xi32, #tpu.memory_space<hbm>> -> memref<1x2x100xi32, #tpu.memory_space<hbm>>
        %dma_start3A_57 = tpu.memref_squeeze %dma_start3A_56 : memref<1x2x100xi32, #tpu.memory_space<hbm>> -> memref<2x100xi32, #tpu.memory_space<hbm>>
        %dma_start3A_58 = arith.constant 0 : i32
        %dma_start3A_59 = arith.constant 0 : i32
        %dma_start3A_60 = tpu.memref_slice %arg3[%add3A_9, %dma_start3A_58, %dma_start3A_59] : memref<1024x2x100xi32, #tpu.memory_space<hbm>> -> memref<1x2x100xi32, #tpu.memory_space<hbm>>
        %dma_start3A_61 = tpu.memref_squeeze %dma_start3A_60 : memref<1x2x100xi32, #tpu.memory_space<hbm>> -> memref<2x100xi32, #tpu.memory_space<hbm>>
        tpu.enqueue_dma source(%dma_start3A_61 : memref<2x100xi32, #tpu.memory_space<hbm>>) target(%arg6 : memref<2x100xi32, #tpu.memory_space<vmem>>) target_semaphore(%run_scoped3A : memref<!tpu.dma_semaphore, #tpu.memory_space<semaphore_mem>>)
        %dma_wait3A_62 = arith.constant 0 : i32
        %dma_wait3A_63 = arith.constant 0 : i32
        %dma_wait3A_64 = tpu.memref_slice %arg3[%add3A_9, %dma_wait3A_62, %dma_wait3A_63] : memref<1024x2x100xi32, #tpu.memory_space<hbm>> -> memref<1x2x100xi32, #tpu.memory_space<hbm>>
        %dma_wait3A_65 = tpu.memref_squeeze %dma_wait3A_64 : memref<1x2x100xi32, #tpu.memory_space<hbm>> -> memref<2x100xi32, #tpu.memory_space<hbm>>
        %dma_wait3A_66 = arith.constant 0 : i32
        %dma_wait3A_67 = arith.constant 0 : i32
        %dma_wait3A_68 = tpu.memref_slice %arg3[%add3A_9, %dma_wait3A_66, %dma_wait3A_67] : memref<1024x2x100xi32, #tpu.memory_space<hbm>> -> memref<1x2x100xi32, #tpu.memory_space<hbm>>
        %dma_wait3A_69 = tpu.memref_squeeze %dma_wait3A_68 : memref<1x2x100xi32, #tpu.memory_space<hbm>> -> memref<2x100xi32, #tpu.memory_space<hbm>>
        tpu.wait_dma2 semaphore(%run_scoped3A : memref<!tpu.dma_semaphore, #tpu.memory_space<semaphore_mem>>) src(%dma_wait3A_69 : memref<2x100xi32, #tpu.memory_space<hbm>>) dst(%arg6 : memref<2x100xi32, #tpu.memory_space<vmem>>)
        tpu.yield
      }) : () -> ()
      %dma_start3A = arith.constant 0 : i32
      %dma_start3A_10 = arith.constant 0 : i32
      %dma_start3A_11 = arith.constant 0 : i32
      %dma_start3A_12 = tpu.memref_slice %arg7[%dma_start3A_10, %dma_start3A_11] : memref<200x128xf32, #tpu.memory_space<vmem>> -> memref<100x128xf32, #tpu.memory_space<vmem>>
      %dma_start3A_13 = arith.constant 0 : i32
      %dma_start3A_14 = tpu.memref_slice %arg6[%dma_start3A, %dma_start3A_13] : memref<2x100xi32, #tpu.memory_space<vmem>> -> memref<1x100xi32, #tpu.memory_space<vmem>>
      %dma_start3A_15 = tpu.memref_squeeze %dma_start3A_14 : memref<1x100xi32, #tpu.memory_space<vmem>> -> memref<100xi32, #tpu.memory_space<vmem>>
      %dma_start3A_16 = arith.constant 0 : i32
      %dma_start3A_17 = arith.constant 0 : i32
      %dma_start3A_18 = tpu.memref_slice %arg2[%dma_start3A_16, %dma_start3A_17] : memref<100000x128xf32, #tpu.memory_space<hbm>> -> memref<100000x128xf32, #tpu.memory_space<hbm>>
      tpu.enqueue_indirect_dma source(%dma_start3A_18 : memref<100000x128xf32, #tpu.memory_space<hbm>>) target(%dma_start3A_12 : memref<100x128xf32, #tpu.memory_space<vmem>>) offsets(%dma_start3A_15 : memref<100xi32, #tpu.memory_space<vmem>>) semaphore(%arg9 : memref<!tpu.dma_semaphore, #tpu.memory_space<semaphore_mem>>)
      %dma_start3A_19 = arith.constant 1 : i32
      %dma_start3A_20 = arith.constant 100 : i32
      %dma_start3A_21 = arith.constant 0 : i32
      %dma_start3A_22 = tpu.memref_slice %arg7[%dma_start3A_20, %dma_start3A_21] : memref<200x128xf32, #tpu.memory_space<vmem>> -> memref<100x128xf32, #tpu.memory_space<vmem>>
      %dma_start3A_23 = arith.constant 0 : i32
      %dma_start3A_24 = tpu.memref_slice %arg6[%dma_start3A_19, %dma_start3A_23] : memref<2x100xi32, #tpu.memory_space<vmem>> -> memref<1x100xi32, #tpu.memory_space<vmem>>
      %dma_start3A_25 = tpu.memref_squeeze %dma_start3A_24 : memref<1x100xi32, #tpu.memory_space<vmem>> -> memref<100xi32, #tpu.memory_space<vmem>>
      %dma_start3A_26 = arith.constant 0 : i32
      %dma_start3A_27 = arith.constant 0 : i32
      %dma_start3A_28 = tpu.memref_slice %arg2[%dma_start3A_26, %dma_start3A_27] : memref<100000x128xf32, #tpu.memory_space<hbm>> -> memref<100000x128xf32, #tpu.memory_space<hbm>>
      tpu.enqueue_indirect_dma source(%dma_start3A_28 : memref<100000x128xf32, #tpu.memory_space<hbm>>) target(%dma_start3A_22 : memref<100x128xf32, #tpu.memory_space<vmem>>) offsets(%dma_start3A_25 : memref<100xi32, #tpu.memory_space<vmem>>) semaphore(%arg9 : memref<!tpu.dma_semaphore, #tpu.memory_space<semaphore_mem>>)
      %dma_wait3A = arith.constant 0 : i32
      %dma_wait3A_29 = arith.constant 0 : i32
      %dma_wait3A_30 = arith.constant 0 : i32
      %dma_wait3A_31 = tpu.memref_slice %arg7[%dma_wait3A_29, %dma_wait3A_30] : memref<200x128xf32, #tpu.memory_space<vmem>> -> memref<100x128xf32, #tpu.memory_space<vmem>>
      %dma_wait3A_32 = arith.constant 0 : i32
      %dma_wait3A_33 = tpu.memref_slice %arg6[%dma_wait3A, %dma_wait3A_32] : memref<2x100xi32, #tpu.memory_space<vmem>> -> memref<1x100xi32, #tpu.memory_space<vmem>>
      %dma_wait3A_34 = tpu.memref_squeeze %dma_wait3A_33 : memref<1x100xi32, #tpu.memory_space<vmem>> -> memref<100xi32, #tpu.memory_space<vmem>>
      %dma_wait3A_35 = arith.constant 0 : i32
      %dma_wait3A_36 = arith.constant 0 : i32
      %dma_wait3A_37 = tpu.memref_slice %arg2[%dma_wait3A_35, %dma_wait3A_36] : memref<100000x128xf32, #tpu.memory_space<hbm>> -> memref<100000x128xf32, #tpu.memory_space<hbm>>
      tpu.wait_indirect_dma semaphore(%arg9 : memref<!tpu.dma_semaphore, #tpu.memory_space<semaphore_mem>>) src(%dma_wait3A_37 : memref<100000x128xf32, #tpu.memory_space<hbm>>) dst(%dma_wait3A_31 : memref<100x128xf32, #tpu.memory_space<vmem>>)
      %dma_wait3A_38 = arith.constant 1 : i32
      %dma_wait3A_39 = arith.constant 100 : i32
      %dma_wait3A_40 = arith.constant 0 : i32
      %dma_wait3A_41 = tpu.memref_slice %arg7[%dma_wait3A_39, %dma_wait3A_40] : memref<200x128xf32, #tpu.memory_space<vmem>> -> memref<100x128xf32, #tpu.memory_space<vmem>>
      %dma_wait3A_42 = arith.constant 0 : i32
      %dma_wait3A_43 = tpu.memref_slice %arg6[%dma_wait3A_38, %dma_wait3A_42] : memref<2x100xi32, #tpu.memory_space<vmem>> -> memref<1x100xi32, #tpu.memory_space<vmem>>
      %dma_wait3A_44 = tpu.memref_squeeze %dma_wait3A_43 : memref<1x100xi32, #tpu.memory_space<vmem>> -> memref<100xi32, #tpu.memory_space<vmem>>
      %dma_wait3A_45 = arith.constant 0 : i32
      %dma_wait3A_46 = arith.constant 0 : i32
      %dma_wait3A_47 = tpu.memref_slice %arg2[%dma_wait3A_45, %dma_wait3A_46] : memref<100000x128xf32, #tpu.memory_space<hbm>> -> memref<100000x128xf32, #tpu.memory_space<hbm>>
      tpu.wait_indirect_dma semaphore(%arg9 : memref<!tpu.dma_semaphore, #tpu.memory_space<semaphore_mem>>) src(%dma_wait3A_47 : memref<100000x128xf32, #tpu.memory_space<hbm>>) dst(%dma_wait3A_41 : memref<100x128xf32, #tpu.memory_space<vmem>>)
      %scan3A_48 = arith.constant 0 : i32
      %scan3A_49 = arith.constant 0 : i32
      %scan3A_50 = arith.constant 200 : i32
      %scan3A_51 = arith.addi %scan3A_49, %scan3A_50 : i32
      %scan3A_52 = arith.constant 2 : i32
      scf.for %scan3A_54 = %scan3A_49 to %scan3A_51 step %scan3A_52  : i32 {
        %get3A = arith.index_cast %scan3A_54 : i32 to index
        %get3A_55 = arith.constant 0 : index
        %get3A_56 = tpu.vector_load %arg8[%get3A, %get3A_55] {strides = array<i32>} : memref<200x128xf32, #tpu.memory_space<vmem>>, vector<1x16xf32>,
        %get3A_57 = vector.shape_cast %get3A_56 : vector<1x16xf32> to vector<16xf32>
        %swap3A = arith.index_cast %scan3A_54 : i32 to index
        %swap3A_58 = arith.constant 0 : index
        %swap3A_59 = tpu.vector_load %arg7[%swap3A, %swap3A_58] {strides = array<i32>} : memref<200x128xf32, #tpu.memory_space<vmem>>, vector<1x16xf32>,
        %swap3A_60 = vector.shape_cast %swap3A_59 : vector<1x16xf32> to vector<16xf32>
        %swap3A_61 = vector.shape_cast %get3A_57 : vector<16xf32> to vector<1x16xf32>
        tpu.vector_store %arg7[%swap3A, %swap3A_58], %swap3A_61 {add = true, strides = array<i32>} : memref<200x128xf32, #tpu.memory_space<vmem>>, vector<1x16xf32>,
        %get3A_62 = arith.index_cast %scan3A_54 : i32 to index
        %get3A_63 = arith.constant 16 : index
        %get3A_64 = tpu.vector_load %arg8[%get3A_62, %get3A_63] {strides = array<i32>} : memref<200x128xf32, #tpu.memory_space<vmem>>, vector<1x16xf32>,
        %get3A_65 = vector.shape_cast %get3A_64 : vector<1x16xf32> to vector<16xf32>
        %swap3A_66 = arith.index_cast %scan3A_54 : i32 to index
        %swap3A_67 = arith.constant 16 : index
        %swap3A_68 = tpu.vector_load %arg7[%swap3A_66, %swap3A_67] {strides = array<i32>} : memref<200x128xf32, #tpu.memory_space<vmem>>, vector<1x16xf32>,
        %swap3A_69 = vector.shape_cast %swap3A_68 : vector<1x16xf32> to vector<16xf32>
        %swap3A_70 = vector.shape_cast %get3A_65 : vector<16xf32> to vector<1x16xf32>
        tpu.vector_store %arg7[%swap3A_66, %swap3A_67], %swap3A_70 {add = true, strides = array<i32>} : memref<200x128xf32, #tpu.memory_space<vmem>>, vector<1x16xf32>,
        %get3A_71 = arith.index_cast %scan3A_54 : i32 to index
        %get3A_72 = arith.constant 32 : index
        %get3A_73 = tpu.vector_load %arg8[%get3A_71, %get3A_72] {strides = array<i32>} : memref<200x128xf32, #tpu.memory_space<vmem>>, vector<1x16xf32>,
        %get3A_74 = vector.shape_cast %get3A_73 : vector<1x16xf32> to vector<16xf32>
        %swap3A_75 = arith.index_cast %scan3A_54 : i32 to index
        %swap3A_76 = arith.constant 32 : index
        %swap3A_77 = tpu.vector_load %arg7[%swap3A_75, %swap3A_76] {strides = array<i32>} : memref<200x128xf32, #tpu.memory_space<vmem>>, vector<1x16xf32>,
        %swap3A_78 = vector.shape_cast %swap3A_77 : vector<1x16xf32> to vector<16xf32>
        %swap3A_79 = vector.shape_cast %get3A_74 : vector<16xf32> to vector<1x16xf32>
        tpu.vector_store %arg7[%swap3A_75, %swap3A_76], %swap3A_79 {add = true, strides = array<i32>} : memref<200x128xf32, #tpu.memory_space<vmem>>, vector<1x16xf32>,
        %get3A_80 = arith.index_cast %scan3A_54 : i32 to index
        %get3A_81 = arith.constant 48 : index
        %get3A_82 = tpu.vector_load %arg8[%get3A_80, %get3A_81] {strides = array<i32>} : memref<200x128xf32, #tpu.memory_space<vmem>>, vector<1x16xf32>,
        %get3A_83 = vector.shape_cast %get3A_82 : vector<1x16xf32> to vector<16xf32>
        %swap3A_84 = arith.index_cast %scan3A_54 : i32 to index
        %swap3A_85 = arith.constant 48 : index
        %swap3A_86 = tpu.vector_load %arg7[%swap3A_84, %swap3A_85] {strides = array<i32>} : memref<200x128xf32, #tpu.memory_space<vmem>>, vector<1x16xf32>,
        %swap3A_87 = vector.shape_cast %swap3A_86 : vector<1x16xf32> to vector<16xf32>
        %swap3A_88 = vector.shape_cast %get3A_83 : vector<16xf32> to vector<1x16xf32>
        tpu.vector_store %arg7[%swap3A_84, %swap3A_85], %swap3A_88 {add = true, strides = array<i32>} : memref<200x128xf32, #tpu.memory_space<vmem>>, vector<1x16xf32>,
        %get3A_89 = arith.index_cast %scan3A_54 : i32 to index
        %get3A_90 = arith.constant 64 : index
        %get3A_91 = tpu.vector_load %arg8[%get3A_89, %get3A_90] {strides = array<i32>} : memref<200x128xf32, #tpu.memory_space<vmem>>, vector<1x16xf32>,
        %get3A_92 = vector.shape_cast %get3A_91 : vector<1x16xf32> to vector<16xf32>
        %swap3A_93 = arith.index_cast %scan3A_54 : i32 to index
        %swap3A_94 = arith.constant 64 : index
        %swap3A_95 = tpu.vector_load %arg7[%swap3A_93, %swap3A_94] {strides = array<i32>} : memref<200x128xf32, #tpu.memory_space<vmem>>, vector<1x16xf32>,
        %swap3A_96 = vector.shape_cast %swap3A_95 : vector<1x16xf32> to vector<16xf32>
        %swap3A_97 = vector.shape_cast %get3A_92 : vector<16xf32> to vector<1x16xf32>
        tpu.vector_store %arg7[%swap3A_93, %swap3A_94], %swap3A_97 {add = true, strides = array<i32>} : memref<200x128xf32, #tpu.memory_space<vmem>>, vector<1x16xf32>,
        %get3A_98 = arith.index_cast %scan3A_54 : i32 to index
        %get3A_99 = arith.constant 80 : index
        %get3A_100 = tpu.vector_load %arg8[%get3A_98, %get3A_99] {strides = array<i32>} : memref<200x128xf32, #tpu.memory_space<vmem>>, vector<1x16xf32>,
        %get3A_101 = vector.shape_cast %get3A_100 : vector<1x16xf32> to vector<16xf32>
        %swap3A_102 = arith.index_cast %scan3A_54 : i32 to index
        %swap3A_103 = arith.constant 80 : index
        %swap3A_104 = tpu.vector_load %arg7[%swap3A_102, %swap3A_103] {strides = array<i32>} : memref<200x128xf32, #tpu.memory_space<vmem>>, vector<1x16xf32>,
        %swap3A_105 = vector.shape_cast %swap3A_104 : vector<1x16xf32> to vector<16xf32>
        %swap3A_106 = vector.shape_cast %get3A_101 : vector<16xf32> to vector<1x16xf32>
        tpu.vector_store %arg7[%swap3A_102, %swap3A_103], %swap3A_106 {add = true, strides = array<i32>} : memref<200x128xf32, #tpu.memory_space<vmem>>, vector<1x16xf32>,
        %get3A_107 = arith.index_cast %scan3A_54 : i32 to index
        %get3A_108 = arith.constant 96 : index
        %get3A_109 = tpu.vector_load %arg8[%get3A_107, %get3A_108] {strides = array<i32>} : memref<200x128xf32, #tpu.memory_space<vmem>>, vector<1x16xf32>,
        %get3A_110 = vector.shape_cast %get3A_109 : vector<1x16xf32> to vector<16xf32>
        %swap3A_111 = arith.index_cast %scan3A_54 : i32 to index
        %swap3A_112 = arith.constant 96 : index
        %swap3A_113 = tpu.vector_load %arg7[%swap3A_111, %swap3A_112] {strides = array<i32>} : memref<200x128xf32, #tpu.memory_space<vmem>>, vector<1x16xf32>,
        %swap3A_114 = vector.shape_cast %swap3A_113 : vector<1x16xf32> to vector<16xf32>
        %swap3A_115 = vector.shape_cast %get3A_110 : vector<16xf32> to vector<1x16xf32>
        tpu.vector_store %arg7[%swap3A_111, %swap3A_112], %swap3A_115 {add = true, strides = array<i32>} : memref<200x128xf32, #tpu.memory_space<vmem>>, vector<1x16xf32>,
        %get3A_116 = arith.index_cast %scan3A_54 : i32 to index
        %get3A_117 = arith.constant 112 : index
        %get3A_118 = tpu.vector_load %arg8[%get3A_116, %get3A_117] {strides = array<i32>} : memref<200x128xf32, #tpu.memory_space<vmem>>, vector<1x16xf32>,
        %get3A_119 = vector.shape_cast %get3A_118 : vector<1x16xf32> to vector<16xf32>
        %swap3A_120 = arith.index_cast %scan3A_54 : i32 to index
        %swap3A_121 = arith.constant 112 : index
        %swap3A_122 = tpu.vector_load %arg7[%swap3A_120, %swap3A_121] {strides = array<i32>} : memref<200x128xf32, #tpu.memory_space<vmem>>, vector<1x16xf32>,
        %swap3A_123 = vector.shape_cast %swap3A_122 : vector<1x16xf32> to vector<16xf32>
        %swap3A_124 = vector.shape_cast %get3A_119 : vector<16xf32> to vector<1x16xf32>
        tpu.vector_store %arg7[%swap3A_120, %swap3A_121], %swap3A_124 {add = true, strides = array<i32>} : memref<200x128xf32, #tpu.memory_space<vmem>>, vector<1x16xf32>,
        %scan3A_125 = arith.constant 1 : i32
        %scan3A_126 = arith.addi %scan3A_54, %scan3A_125 : i32
        %get3A_127 = arith.index_cast %scan3A_126 : i32 to index
        %get3A_128 = arith.constant 0 : index
        %get3A_129 = tpu.vector_load %arg8[%get3A_127, %get3A_128] {strides = array<i32>} : memref<200x128xf32, #tpu.memory_space<vmem>>, vector<1x16xf32>,
        %get3A_130 = vector.shape_cast %get3A_129 : vector<1x16xf32> to vector<16xf32>
        %swap3A_131 = arith.index_cast %scan3A_126 : i32 to index
        %swap3A_132 = arith.constant 0 : index
        %swap3A_133 = tpu.vector_load %arg7[%swap3A_131, %swap3A_132] {strides = array<i32>} : memref<200x128xf32, #tpu.memory_space<vmem>>, vector<1x16xf32>,
        %swap3A_134 = vector.shape_cast %swap3A_133 : vector<1x16xf32> to vector<16xf32>
        %swap3A_135 = vector.shape_cast %get3A_130 : vector<16xf32> to vector<1x16xf32>
        tpu.vector_store %arg7[%swap3A_131, %swap3A_132], %swap3A_135 {add = true, strides = array<i32>} : memref<200x128xf32, #tpu.memory_space<vmem>>, vector<1x16xf32>,
        %get3A_136 = arith.index_cast %scan3A_126 : i32 to index
        %get3A_137 = arith.constant 16 : index
        %get3A_138 = tpu.vector_load %arg8[%get3A_136, %get3A_137] {strides = array<i32>} : memref<200x128xf32, #tpu.memory_space<vmem>>, vector<1x16xf32>,
        %get3A_139 = vector.shape_cast %get3A_138 : vector<1x16xf32> to vector<16xf32>
        %swap3A_140 = arith.index_cast %scan3A_126 : i32 to index
        %swap3A_141 = arith.constant 16 : index
        %swap3A_142 = tpu.vector_load %arg7[%swap3A_140, %swap3A_141] {strides = array<i32>} : memref<200x128xf32, #tpu.memory_space<vmem>>, vector<1x16xf32>,
        %swap3A_143 = vector.shape_cast %swap3A_142 : vector<1x16xf32> to vector<16xf32>
        %swap3A_144 = vector.shape_cast %get3A_139 : vector<16xf32> to vector<1x16xf32>
        tpu.vector_store %arg7[%swap3A_140, %swap3A_141], %swap3A_144 {add = true, strides = array<i32>} : memref<200x128xf32, #tpu.memory_space<vmem>>, vector<1x16xf32>,
        %get3A_145 = arith.index_cast %scan3A_126 : i32 to index
        %get3A_146 = arith.constant 32 : index
        %get3A_147 = tpu.vector_load %arg8[%get3A_145, %get3A_146] {strides = array<i32>} : memref<200x128xf32, #tpu.memory_space<vmem>>, vector<1x16xf32>,
        %get3A_148 = vector.shape_cast %get3A_147 : vector<1x16xf32> to vector<16xf32>
        %swap3A_149 = arith.index_cast %scan3A_126 : i32 to index
        %swap3A_150 = arith.constant 32 : index
        %swap3A_151 = tpu.vector_load %arg7[%swap3A_149, %swap3A_150] {strides = array<i32>} : memref<200x128xf32, #tpu.memory_space<vmem>>, vector<1x16xf32>,
        %swap3A_152 = vector.shape_cast %swap3A_151 : vector<1x16xf32> to vector<16xf32>
        %swap3A_153 = vector.shape_cast %get3A_148 : vector<16xf32> to vector<1x16xf32>
        tpu.vector_store %arg7[%swap3A_149, %swap3A_150], %swap3A_153 {add = true, strides = array<i32>} : memref<200x128xf32, #tpu.memory_space<vmem>>, vector<1x16xf32>,
        %get3A_154 = arith.index_cast %scan3A_126 : i32 to index
        %get3A_155 = arith.constant 48 : index
        %get3A_156 = tpu.vector_load %arg8[%get3A_154, %get3A_155] {strides = array<i32>} : memref<200x128xf32, #tpu.memory_space<vmem>>, vector<1x16xf32>,
        %get3A_157 = vector.shape_cast %get3A_156 : vector<1x16xf32> to vector<16xf32>
        %swap3A_158 = arith.index_cast %scan3A_126 : i32 to index
        %swap3A_159 = arith.constant 48 : index
        %swap3A_160 = tpu.vector_load %arg7[%swap3A_158, %swap3A_159] {strides = array<i32>} : memref<200x128xf32, #tpu.memory_space<vmem>>, vector<1x16xf32>,
        %swap3A_161 = vector.shape_cast %swap3A_160 : vector<1x16xf32> to vector<16xf32>
        %swap3A_162 = vector.shape_cast %get3A_157 : vector<16xf32> to vector<1x16xf32>
        tpu.vector_store %arg7[%swap3A_158, %swap3A_159], %swap3A_162 {add = true, strides = array<i32>} : memref<200x128xf32, #tpu.memory_space<vmem>>, vector<1x16xf32>,
        %get3A_163 = arith.index_cast %scan3A_126 : i32 to index
        %get3A_164 = arith.constant 64 : index
        %get3A_165 = tpu.vector_load %arg8[%get3A_163, %get3A_164] {strides = array<i32>} : memref<200x128xf32, #tpu.memory_space<vmem>>, vector<1x16xf32>,
        %get3A_166 = vector.shape_cast %get3A_165 : vector<1x16xf32> to vector<16xf32>
        %swap3A_167 = arith.index_cast %scan3A_126 : i32 to index
        %swap3A_168 = arith.constant 64 : index
        %swap3A_169 = tpu.vector_load %arg7[%swap3A_167, %swap3A_168] {strides = array<i32>} : memref<200x128xf32, #tpu.memory_space<vmem>>, vector<1x16xf32>,
        %swap3A_170 = vector.shape_cast %swap3A_169 : vector<1x16xf32> to vector<16xf32>
        %swap3A_171 = vector.shape_cast %get3A_166 : vector<16xf32> to vector<1x16xf32>
        tpu.vector_store %arg7[%swap3A_167, %swap3A_168], %swap3A_171 {add = true, strides = array<i32>} : memref<200x128xf32, #tpu.memory_space<vmem>>, vector<1x16xf32>,
        %get3A_172 = arith.index_cast %scan3A_126 : i32 to index
        %get3A_173 = arith.constant 80 : index
        %get3A_174 = tpu.vector_load %arg8[%get3A_172, %get3A_173] {strides = array<i32>} : memref<200x128xf32, #tpu.memory_space<vmem>>, vector<1x16xf32>,
        %get3A_175 = vector.shape_cast %get3A_174 : vector<1x16xf32> to vector<16xf32>
        %swap3A_176 = arith.index_cast %scan3A_126 : i32 to index
        %swap3A_177 = arith.constant 80 : index
        %swap3A_178 = tpu.vector_load %arg7[%swap3A_176, %swap3A_177] {strides = array<i32>} : memref<200x128xf32, #tpu.memory_space<vmem>>, vector<1x16xf32>,
        %swap3A_179 = vector.shape_cast %swap3A_178 : vector<1x16xf32> to vector<16xf32>
        %swap3A_180 = vector.shape_cast %get3A_175 : vector<16xf32> to vector<1x16xf32>
        tpu.vector_store %arg7[%swap3A_176, %swap3A_177], %swap3A_180 {add = true, strides = array<i32>} : memref<200x128xf32, #tpu.memory_space<vmem>>, vector<1x16xf32>,
        %get3A_181 = arith.index_cast %scan3A_126 : i32 to index
        %get3A_182 = arith.constant 96 : index
        %get3A_183 = tpu.vector_load %arg8[%get3A_181, %get3A_182] {strides = array<i32>} : memref<200x128xf32, #tpu.memory_space<vmem>>, vector<1x16xf32>,
        %get3A_184 = vector.shape_cast %get3A_183 : vector<1x16xf32> to vector<16xf32>
        %swap3A_185 = arith.index_cast %scan3A_126 : i32 to index
        %swap3A_186 = arith.constant 96 : index
        %swap3A_187 = tpu.vector_load %arg7[%swap3A_185, %swap3A_186] {strides = array<i32>} : memref<200x128xf32, #tpu.memory_space<vmem>>, vector<1x16xf32>,
        %swap3A_188 = vector.shape_cast %swap3A_187 : vector<1x16xf32> to vector<16xf32>
        %swap3A_189 = vector.shape_cast %get3A_184 : vector<16xf32> to vector<1x16xf32>
        tpu.vector_store %arg7[%swap3A_185, %swap3A_186], %swap3A_189 {add = true, strides = array<i32>} : memref<200x128xf32, #tpu.memory_space<vmem>>, vector<1x16xf32>,
        %get3A_190 = arith.index_cast %scan3A_126 : i32 to index
        %get3A_191 = arith.constant 112 : index
        %get3A_192 = tpu.vector_load %arg8[%get3A_190, %get3A_191] {strides = array<i32>} : memref<200x128xf32, #tpu.memory_space<vmem>>, vector<1x16xf32>,
        %get3A_193 = vector.shape_cast %get3A_192 : vector<1x16xf32> to vector<16xf32>
        %swap3A_194 = arith.index_cast %scan3A_126 : i32 to index
        %swap3A_195 = arith.constant 112 : index
        %swap3A_196 = tpu.vector_load %arg7[%swap3A_194, %swap3A_195] {strides = array<i32>} : memref<200x128xf32, #tpu.memory_space<vmem>>, vector<1x16xf32>,
        %swap3A_197 = vector.shape_cast %swap3A_196 : vector<1x16xf32> to vector<16xf32>
        %swap3A_198 = vector.shape_cast %get3A_193 : vector<16xf32> to vector<1x16xf32>
        tpu.vector_store %arg7[%swap3A_194, %swap3A_195], %swap3A_198 {add = true, strides = array<i32>} : memref<200x128xf32, #tpu.memory_space<vmem>>, vector<1x16xf32>,
      }
      %scan3A_53 = arith.constant 200 : i32
      "tpu.region"() ({
        %run_scoped3A = tpu.sem_alloc : memref<!tpu.dma_semaphore, #tpu.memory_space<semaphore_mem>>
        %dma_start3A_54 = arith.constant 0 : i32
        %dma_start3A_55 = arith.constant 0 : i32
        %dma_start3A_56 = tpu.memref_slice %arg5[%add3A_9, %dma_start3A_54, %dma_start3A_55] : memref<1024x200x128xf32, #tpu.memory_space<hbm>> -> memref<1x200x128xf32, #tpu.memory_space<hbm>>
        %dma_start3A_57 = tpu.memref_squeeze %dma_start3A_56 : memref<1x200x128xf32, #tpu.memory_space<hbm>> -> memref<200x128xf32, #tpu.memory_space<hbm>>
        %dma_start3A_58 = arith.constant 0 : i32
        %dma_start3A_59 = arith.constant 0 : i32
        %dma_start3A_60 = tpu.memref_slice %arg5[%add3A_9, %dma_start3A_58, %dma_start3A_59] : memref<1024x200x128xf32, #tpu.memory_space<hbm>> -> memref<1x200x128xf32, #tpu.memory_space<hbm>>
        %dma_start3A_61 = tpu.memref_squeeze %dma_start3A_60 : memref<1x200x128xf32, #tpu.memory_space<hbm>> -> memref<200x128xf32, #tpu.memory_space<hbm>>
        tpu.enqueue_dma source(%arg7 : memref<200x128xf32, #tpu.memory_space<vmem>>) target(%dma_start3A_61 : memref<200x128xf32, #tpu.memory_space<hbm>>) target_semaphore(%run_scoped3A : memref<!tpu.dma_semaphore, #tpu.memory_space<semaphore_mem>>)
        %dma_wait3A_62 = arith.constant 0 : i32
        %dma_wait3A_63 = arith.constant 0 : i32
        %dma_wait3A_64 = tpu.memref_slice %arg5[%add3A_9, %dma_wait3A_62, %dma_wait3A_63] : memref<1024x200x128xf32, #tpu.memory_space<hbm>> -> memref<1x200x128xf32, #tpu.memory_space<hbm>>
        %dma_wait3A_65 = tpu.memref_squeeze %dma_wait3A_64 : memref<1x200x128xf32, #tpu.memory_space<hbm>> -> memref<200x128xf32, #tpu.memory_space<hbm>>
        %dma_wait3A_66 = arith.constant 0 : i32
        %dma_wait3A_67 = arith.constant 0 : i32
        %dma_wait3A_68 = tpu.memref_slice %arg5[%add3A_9, %dma_wait3A_66, %dma_wait3A_67] : memref<1024x200x128xf32, #tpu.memory_space<hbm>> -> memref<1x200x128xf32, #tpu.memory_space<hbm>>
        %dma_wait3A_69 = tpu.memref_squeeze %dma_wait3A_68 : memref<1x200x128xf32, #tpu.memory_space<hbm>> -> memref<200x128xf32, #tpu.memory_space<hbm>>
        tpu.wait_dma2 semaphore(%run_scoped3A : memref<!tpu.dma_semaphore, #tpu.memory_space<semaphore_mem>>) src(%arg7 : memref<200x128xf32, #tpu.memory_space<vmem>>) dst(%dma_wait3A_69 : memref<200x128xf32, #tpu.memory_space<hbm>>)
        tpu.yield
      }) : () -> ()
    }
    %scan3A_5 = arith.constant 32 : i32
    return
  }
}

module attributes {stable_mosaic.version = 14 : i64} {
  func.func @_proj_body(%arg0: i32, %arg1: memref<2000x512xf32, #tpu.memory_space<vmem>>, %arg2: memref<512x128xf32, #tpu.memory_space<vmem>>, %arg3: memref<200x512xf32, #tpu.memory_space<vmem>>, %arg4: memref<1x128xf32, #tpu.memory_space<vmem>>, %arg5: memref<2000x128xf32, #tpu.memory_space<vmem>>, %arg6: memref<200x128xf32, #tpu.memory_space<vmem>>) attributes {dimension_semantics = [#tpu.dimension_semantics<arbitrary>], iteration_bounds = array<i64: 50>, scalar_prefetch = 0 : i64, scratch_operands = 0 : i64, tpu.core_type = #tpu.core_type<tc>, window_params = [{transform_indices = @transform_0, window_bounds = array<i64: 2000, 512>}, {pipeline_mode = #tpu.pipeline_mode<synchronous>, transform_indices = @transform_1, window_bounds = array<i64: 512, 128>}, {pipeline_mode = #tpu.pipeline_mode<synchronous>, transform_indices = @transform_2, window_bounds = array<i64: 200, 512>}, {pipeline_mode = #tpu.pipeline_mode<synchronous>, transform_indices = @transform_3, window_bounds = array<i64: 1, 128>}, {transform_indices = @transform_4, window_bounds = array<i64: 2000, 128>}, {pipeline_mode = #tpu.pipeline_mode<synchronous>, transform_indices = @transform_5, window_bounds = array<i64: 200, 128>}]} {
    %get3A = arith.constant 0 : index
    %get3A_0 = arith.constant 0 : index
    %get3A_1 = vector.load %arg1[%get3A, %get3A_0] : memref<2000x512xf32, #tpu.memory_space<vmem>>, vector<2000x512xf32>
    %get3A_2 = arith.constant 0 : index
    %get3A_3 = arith.constant 0 : index
    %get3A_4 = vector.load %arg2[%get3A_2, %get3A_3] : memref<512x128xf32, #tpu.memory_space<vmem>>, vector<512x128xf32>
    %dot_general3A = arith.constant dense<0.000000e+00> : vector<2000x128xf32>
    %dot_general3A_5 = tpu.matmul %get3A_1, %get3A_4, %dot_general3A {dimension_numbers = #tpu.dot_dimension_numbers<[1], [0], [0], [1], [0, 0, 1, 1], [], []>, transpose_lhs_hint = false} : vector<2000x512xf32>, vector<512x128xf32>, vector<2000x128xf32> -> vector<2000x128xf32>
    %swap3A = arith.constant 0 : index
    %swap3A_6 = arith.constant 0 : index
    %swap3A_7 = vector.load %arg5[%swap3A, %swap3A_6] : memref<2000x128xf32, #tpu.memory_space<vmem>>, vector<2000x128xf32>
    tpu.vector_store %arg5[%swap3A, %swap3A_6], %dot_general3A_5 {strides = array<i32>} : memref<2000x128xf32, #tpu.memory_space<vmem>>, vector<2000x128xf32>,
    %eq3A = arith.constant 0 : i32
    %eq3A_8 = arith.cmpi eq, %arg0, %eq3A : i32
    %convert_element_type3A = arith.extui %eq3A_8 : i1 to i32
    %cond3A = arith.constant 0 : i32
    %cond3A_9 = arith.cmpi ne, %convert_element_type3A, %cond3A : i32
    scf.if %cond3A_9 {
      %get3A_10 = arith.constant 0 : index
      %get3A_11 = arith.constant 0 : index
      %get3A_12 = vector.load %arg3[%get3A_10, %get3A_11] : memref<200x512xf32, #tpu.memory_space<vmem>>, vector<200x512xf32>
      %get3A_13 = arith.constant 0 : index
      %get3A_14 = arith.constant 0 : index
      %get3A_15 = vector.load %arg2[%get3A_13, %get3A_14] : memref<512x128xf32, #tpu.memory_space<vmem>>, vector<512x128xf32>
      %dot_general3A_16 = arith.constant dense<0.000000e+00> : vector<200x128xf32>
      %dot_general3A_17 = tpu.matmul %get3A_12, %get3A_15, %dot_general3A_16 {dimension_numbers = #tpu.dot_dimension_numbers<[1], [0], [0], [1], [0, 0, 1, 1], [], []>, transpose_lhs_hint = false} : vector<200x512xf32>, vector<512x128xf32>, vector<200x128xf32> -> vector<200x128xf32>
      %get3A_18 = arith.constant 0 : index
      %get3A_19 = arith.constant 0 : index
      %get3A_20 = vector.load %arg4[%get3A_18, %get3A_19] : memref<1x128xf32, #tpu.memory_space<vmem>>, vector<1x128xf32>
      %add3A = vector.broadcast %get3A_20 : vector<1x128xf32> to vector<200x128xf32>
      %add3A_21 = arith.addf %dot_general3A_17, %add3A : vector<200x128xf32>
      %swap3A_22 = arith.constant 0 : index
      %swap3A_23 = arith.constant 0 : index
      %swap3A_24 = vector.load %arg6[%swap3A_22, %swap3A_23] : memref<200x128xf32, #tpu.memory_space<vmem>>, vector<200x128xf32>
      tpu.vector_store %arg6[%swap3A_22, %swap3A_23], %add3A_21 {strides = array<i32>} : memref<200x128xf32, #tpu.memory_space<vmem>>, vector<200x128xf32>,
    } else {
    }
    return
  }
  func.func @transform_0(%arg0: i32) -> (i32, i32) {
    %c0_i32 = arith.constant 0 : i32
    %c0_i32_0 = arith.constant 0 : i32
    return %arg0, %c0_i32 : i32, i32
  }
  func.func @transform_1(%arg0: i32) -> (i32, i32) {
    %c0_i32 = arith.constant 0 : i32
    %c0_i32_0 = arith.constant 0 : i32
    %c0_i32_1 = arith.constant 0 : i32
    return %c0_i32, %c0_i32_0 : i32, i32
  }
  func.func @transform_2(%arg0: i32) -> (i32, i32) {
    %c0_i32 = arith.constant 0 : i32
    %c0_i32_0 = arith.constant 0 : i32
    %c0_i32_1 = arith.constant 0 : i32
    return %c0_i32, %c0_i32_0 : i32, i32
  }
  func.func @transform_3(%arg0: i32) -> (i32, i32) {
    %c0_i32 = arith.constant 0 : i32
    %c0_i32_0 = arith.constant 0 : i32
    %c0_i32_1 = arith.constant 0 : i32
    return %c0_i32, %c0_i32_0 : i32, i32
  }
  func.func @transform_4(%arg0: i32) -> (i32, i32) {
    %c0_i32 = arith.constant 0 : i32
    %c0_i32_0 = arith.constant 0 : i32
    return %arg0, %c0_i32 : i32, i32
  }
  func.func @transform_5(%arg0: i32) -> (i32, i32) {
    %c0_i32 = arith.constant 0 : i32
    %c0_i32_0 = arith.constant 0 : i32
    %c0_i32_1 = arith.constant 0 : i32
    return %c0_i32, %c0_i32_0 : i32, i32
  }
}

</mosaic_0001>

<sc_bundles>
// kernel: kernel.4.cloned.1.call-start
scs
__scs_entry_jumppad:
0x0: {  	(pc) =	sbr.rel $0x88, $3  }
0x1: {  	(tag) =	ssettag $0x0;
	lr =	simm.s32 $0x1  }
0x2: {  	[smem:$0x3F9D] =	sst lr;
	_ =	strace $0xD0000000  }
0x3: {  	_ = 	snop  }
0x4: {  	_ = 	snop  }
0x5: {  	_ = 	snop  }
0x6: {  	_ = 	snop  }
0x7: {  	_ = 	snop  }
__scs_overlays_trampoline_lowered:
0x8: {  	[smem:$0x3FAC] =	sst s0  }
0x9: {  	[smem:$0x3FAD] =	sst s1  }
0xa: {  	[smem:$0x3FAE] =	sst s2  }
0xb: {  	[smem:$0x3FAF] =	sst s3  }
0xc: {  	[smem:$0x3FB0] =	sst s4  }
0xd: {  	[smem:$0x3FB1] =	sst s5  }
0xe: {  	[smem:$0x3FB2] =	sst s6  }
0xf: {  	[smem:$0x3FB3] =	sst s7  }
0x10: {  	[smem:$0x3FB4] =	sst s8  }
0x11: {  	[smem:$0x3FB5] =	sst s9;
	s0 =	simm.s32 @!p0 $0x0  }
0x12: {  	s1 =	sld [smem:$0x3F9B];
	s0 =	simm.s32 @p0 $0x1  }
0x13: {  	[smem:$0x3FB6] =	sst s0;
	s0 =	simm.s32 @!p1 $0x0  }
0x14: {  	s2 =	sld [smem:$0x3F9A];
	s0 =	simm.s32 @p1 $0x1  }
0x15: {  	[smem:$0x3FB7] =	sst s0;
	s0 =	simm.s32 @!p2 $0x0  }
0x16: {  	s3 =	sld [smem:$0x3FDB];
	s0 =	simm.s32 @p2 $0x1  }
0x17: {  	s4 =	simm.s32 $0x1BF5;
	[smem:$0x3FB9] =	sst s0  }
0x18: {  	s0 =	sld [smem:$0x3F9C];
	_ =	swait.ge [sflag:s4], $0x0  }
0x19: {  	s7 =	sld [smem:$0x3F9D]  }
0x1a: {  	s8 =	sadd.s32 $0xFFFFE003, lr  }
0x1b: {  	s9 =	sadd.s32 $0xFFFFFEF7, lr;
	s5 =	simm.s32 $0xFFFFFFFF;
	p2 =	slt.u32 s8, $0xFFFFF086  }
0x1c: {  	p1 =	slt.u32 s9, $0xF7A;
	s5 =	simm.s32 @!p2 $0x0  }
0x1d: {  	s5 =	simm.s32 @p1 $0x1;
	p0 =	seq.s32 s7, s2  }
0x1e: {  	s7 =	smul.u32 @!p0 $0xF7A, s2;
	p2 =	seq.s32 @!p0 s5, $0x0  }
0x1f: {  	s9 =	smul.u32 $0xF7A, s1;
	s8 =	simm.s32 @!p0 $0x1BF5;
	p2 =	por !p2, p0  }
0x20: {  	[sflag:s8] =	ssyncset.s32 @!p0 $0xFFFFF086;
	s6 =	sadd.s32 @!p0 s3, s7;
	s7 =	simm.s32 @!p0 $0x108  }
0x21: {  	s3 =	sadd.s32 s3, s9;
	s6 =	sadd.s32 @!p0 $0x88, s6;
	s7 =	simm.s32 @p2 $0x1082  }
0x22: {  	[simem:s7], [sflag:s8] =	dma.local @!p0 [hbm:s6], $0xF7A  }
0x23: {  	s9 =	sor.u32 $0xD0000000, s2;
	s6 =	simm.s32 $0x108;
	_ =	swait.ge @!p0 [sflag:s8], $0x0  }
0x24: {  	s3 =	sadd.s32 $0x88, s3;
	s6 =	simm.s32 @!p1 $0x1082;
	[sflag:s4] =	ssyncset.s32 $0xFFFFF086  }
0x25: {  	[simem:s6], [sflag:s4] =	dma.local [hbm:s3], $0xF7A  }
0x26: {  	[smem:$0x3F9D] =	sst s1;
	(tag) =	ssettag s2;
	_ =	strace s9  }
0x27: {  	s1 =	sld [smem:$0x3FAD]  }
0x28: {  	s2 =	sld [smem:$0x3FAE]  }
0x29: {  	s4 =	sld [smem:$0x3FB0]  }
0x2a: {  	p0 =	seq.s32 s5, $0x0;
	s5 =	sld [smem:$0x3FB1]  }
0x2b: {  	s6 =	sld [smem:$0x3FB2]  }
0x2c: {  	s7 =	sld [smem:$0x3FB3]  }
0x2d: {  	s3 =	simm.s32 $0x108;
	s8 =	sld [smem:$0x3FB4]  }
0x2e: {  	s3 =	simm.s32 @!p0 $0x1082;
	s9 =	sld [smem:$0x3FB5]  }
0x2f: {  	lr =	sadd.s32 s0, s3;
	s0 =	sld [smem:$0x3FAC]  }
0x30: {  	s3 =	sld [smem:$0x3FAF]  }
0x31: {  	[smem:$0x3FB8] =	sst s10  }
0x32: {  	s10 =	sld [smem:$0x3FB6];
	_ =	sdelay $0x3  }
0x33: {  	p0 =	seq.s32 s10, $0x1;
	s10 =	sld [smem:$0x3FB8];
	_ =	sdelay $0x3  }
0x34: {  	[smem:$0x3FB8] =	sst s10  }
0x35: {  	s10 =	sld [smem:$0x3FB7];
	_ =	sdelay $0x3  }
0x36: {  	p1 =	seq.s32 s10, $0x1;
	s10 =	sld [smem:$0x3FB8];
	_ =	sdelay $0x3  }
0x37: {  	[smem:$0x3FB8] =	sst s10  }
0x38: {  	s10 =	sld [smem:$0x3FB9]  }
0x39: {  	_ = 	snop;
	(pc) =	sbr.ind lr, $3  }
0x3a: {  	_ = 	snop  }
0x3b: {  	_ = 	snop  }
0x3c: {  	p2 =	seq.s32 s10, $0x1;
	s10 =	sld [smem:$0x3FB8]  }
0x3d: {  	_ =	shalt  }
0x3e: {  	_ =	shalt  }
0x3f: {  	_ =	shalt  }
0x40: {  	_ =	shalt  }
0x41: {  	_ =	shalt  }
0x42: {  	_ =	shalt  }
0x43: {  	_ =	shalt  }
0x44: {  	_ =	shalt  }
0x45: {  	_ =	shalt  }
0x46: {  	_ =	shalt  }
0x47: {  	_ =	shalt  }
0x48: {  	_ =	shalt  }
0x49: {  	_ =	shalt  }
0x4a: {  	_ =	shalt  }
0x4b: {  	_ =	shalt  }
0x4c: {  	_ =	shalt  }
0x4d: {  	_ =	shalt  }
0x4e: {  	_ =	shalt  }
0x4f: {  	_ =	shalt  }
0x50: {  	_ =	shalt  }
0x51: {  	_ =	shalt  }
0x52: {  	_ =	shalt  }
0x53: {  	_ =	shalt  }
0x54: {  	_ =	shalt  }
0x55: {  	_ =	shalt  }
0x56: {  	_ =	shalt  }
0x57: {  	_ =	shalt  }
0x58: {  	_ =	shalt  }
0x59: {  	_ =	shalt  }
0x5a: {  	_ =	shalt  }
0x5b: {  	_ =	shalt  }
0x5c: {  	_ =	shalt  }
0x5d: {  	_ =	shalt  }
0x5e: {  	_ =	shalt  }
0x5f: {  	_ =	shalt  }
0x60: {  	_ =	shalt  }
0x61: {  	_ =	shalt  }
0x62: {  	_ =	shalt  }
0x63: {  	_ =	shalt  }
0x64: {  	_ =	shalt  }
0x65: {  	_ =	shalt  }
0x66: {  	_ =	shalt  }
0x67: {  	_ =	shalt  }
0x68: {  	_ =	shalt  }
0x69: {  	_ =	shalt  }
0x6a: {  	_ =	shalt  }
0x6b: {  	_ =	shalt  }
0x6c: {  	_ =	shalt  }
0x6d: {  	_ =	shalt  }
0x6e: {  	_ =	shalt  }
0x6f: {  	_ =	shalt  }
0x70: {  	_ =	shalt  }
0x71: {  	_ =	shalt  }
0x72: {  	_ =	shalt  }
0x73: {  	_ =	shalt  }
0x74: {  	_ =	shalt  }
0x75: {  	_ =	shalt  }
0x76: {  	_ =	shalt  }
0x77: {  	_ =	shalt  }
0x78: {  	_ =	shalt  }
0x79: {  	_ =	shalt  }
0x7a: {  	_ =	shalt  }
0x7b: {  	_ =	shalt  }
0x7c: {  	_ =	shalt  }
0x7d: {  	_ =	shalt  }
0x7e: {  	_ =	shalt  }
0x7f: {  	_ =	shalt  }
0x80: {  	_ =	shalt  }
0x81: {  	_ =	shalt  }
0x82: {  	_ =	shalt  }
0x83: {  	_ =	shalt  }
0x84: {  	_ =	shalt  }
0x85: {  	_ =	shalt  }
0x86: {  	_ =	shalt  }
0x87: {  	_ =	shalt  }
.Lfunc_end0:
.L_simem_size_0:
called_computation.1_lowered:
.L_overlay_start_0:
0x88: {  	s2 =	sld [smem:$0x3FD9]  }
0x89: {  	s3 =	sld [smem:$0x3FFE];
	_ =	sdelay $0x1  }
0x8a: {  	s1 =	srdreg.scid  }
0x8b: {  	s0 =	sand.u32 $0x1, s1  }
0x8c: {  	s17 =	sshll.u32 s0, $0xA;
	s2 =	sadd.s32 s3, s2  }
0x8d: {  	s2 =	sadd.s32 s2, s17  }
0x8e: {  	[smem:$0x3FC4] =	sst s2  }
0x8f: {  	_ = 	snop  }
0x90: {  	s2 =	sld [smem:$0x3FD0];
	(tm) =	ssettm $0x1  }
0x91: {  	s18 =	sld [smem:$0x3FFB];
	_ =	sdelay $0x3  }
0x92: {  	_ =	strace s18  }
0x93: {  	s3 =	sld [smem:$0x3FFC];
	_ =	sdelay $0x3  }
0x94: {  	_ =	strace s3  }
0x95: {  	s3 =	sld [smem:$0x3FFD];
	_ =	sdelay $0x3  }
0x96: {  	_ =	strace s3  }
0x97: {  	_ =	strace $0x8FFFFFFF  }
0x98: {  	s19 =	sld [smem:$0x3FDB];
	_ =	sdelay $0x1  }
0x99: {  	s4 =	simm.s32 $_scs_section_size  }
0x9a: {  	s5 =	simm.s32 $_size__tile_overlayer_lowered;
	s6 =	simm.s32 $_tile_overlayer_lowered  }
0x9b: {  	s22 =	simm.s32 $0x1BFF;
	s21 =	sshll.u32 s6, $0x1;
	s3 =	sadd.s32 s4, s19  }
0x9c: {  	s7 =	simm.s32 $0x0;
	s20 =	sshll.u32 s5, $0x1;
	s5 =	sadd.s32 s21, s3  }
0x9d: {  	[timem:s7], [sflag:s22] =	dma.local [hbm:s5], s20  }
0x9e: {  	_ =	swait.ge [sflag:s22], s20  }
0x9f: {  	s4 =	ssub.s32 $0x0, s20;
	[sflag:s22] =	ssyncset.done $0x0  }
0xa0: {  	[sflag:s22] =	ssyncadd.s32 s4;
	_ =	sdelay $0x1  }
0xa1: {  	s23 =	simm.s32 $0x1B8B  }
0xa2: {  	_ =	swait.ge [sflag:s23], $0x1  }
0xa3: {  	[sflag:s23] =	ssyncset.done $0x0  }
0xa4: {  	s25 =	simm.s32 $0x1B8E;
	s24 =	sld [smem:$0x3FFE];
	[sflag:s23] =	ssyncadd.s32 $0xFFFFFFFF  }
0xa5: {  	s26 =	simm.s32 $execute0_lowered;
	[smem:$0x3FD2] =	sst s25  }
0xa6: {  	s5 =	sshll.u32 s26, $0x1;
	_ =	strace $0x80000046;
	[dreg:$0x1] =	wrdreg $0xFFFFFFFF  }
0xa7: {  	s28 =	simm.s32 $_size_execute0_lowered;
	s3 =	sadd.s32 s3, s5;
	[dreg:$0x0] =	wrdreg $0x0  }
0xa8: {  	s5 =	sshll.u32 s28, $0x1;
	[dreg:$0x2] =	wrdreg s3  }
0xa9: {  	[dreg:$0x3] =	wrdreg s5  }
0xaa: {  	[dreg:$0x4] =	wrdreg $0xC0  }
0xab: {  	_ =	task [dreg:s7], $0x5FFFF  }
0xac: {  	[dreg:$0x1] =	wrdreg $0xFFFFFFFF  }
0xad: {  	[dreg:$0x0] =	wrdreg $0x60  }
0xae: {  	[dreg:$0x2] =	wrdreg s2  }
0xaf: {  	[dreg:$0x3] =	wrdreg s24  }
0xb0: {  	[dreg:$0x4] =	wrdreg $0x9  }
0xb1: {  	_ =	task.clear_ibuf [dreg:s7], $0x5FFFF;
	_ =	strace $0x90000046  }
0xb2: {  	s29 =	simm.s32 $0x9;
	_ =	strace $0x80000048  }
0xb3: {  	_ =	swait.ge [sflag:s29], $0x1  }
0xb4: {  	[sflag:s29] =	ssyncadd.s32 $0xFFFFFFFF  }
0xb5: {  	_ =	strace $0x90000048  }
0xb6: {  	_ =	sfence  }
0xb7: {  	s30 =	sld [smem:$0x0];
	_ =	sdelay $0x2  }
0xb8: {  	s31 =	sshll.u32 s1, $0xD;
	s1 =	sshrl.u32 s1, $0x2  }
0xb9: {  	s3 =	sand.u32 $0x4000, s31;
	s1 =	sadd.s32 s1, s30  }
0xba: {  	s0 =	sor.u32 s3, s0;
	s1 =	sshll.u32 s1, $0x11  }
0xbb: {  	s0 =	sor.u32 s1, s0  }
0xbc: {  	s0 =	sadd.s32 $0x8F2B, s0  }
0xbd: {  	[sflag:s0] =	ssyncadd.remote.s32 $0x1  }
0xbe: {  	_ =	sfence.sel $0xFFFF  }
0xbf: {  	[dreg:$0x0] =	wrdreg $0xFFFFFFFF;
	(pc) =	sbr.abs _section_cstart, $3  }
0xc0: {  	[dreg:$0x1] =	wrdreg $0xFFFFFFFF  }
0xc1: {  	_ =	task.clear_ibuf [dreg:s7], $0x2FFFF;
	_ =	strace $0x9FFFFFFF  }
0xc2: {  	(tm) =	ssettm $0x7FFFFFFF  }
0xc3: {  	_ =	shalt  }
tec
execute0_lowered:
.L_overlay_start_1:
0x0: {  	(tag) =	ssettag $0x1  }
0x1: {  	s1 =	rddreg [dreg:$0x0]  }
0x2: {  	s6 =	rddreg [dreg:$0x1]  }
0x3: {  	s0 =	rddreg [dreg:$0x2]  }
0x4: {  	s2 =	simm.s32 $0x0;
	s3 =	srdreg.scid;
	s11 =	simm.s32 $0x64  }
0x5: {  	s12 =	simm.s32 $0x100;
	s13 =	simm.s32 $0x80;
	s14 =	simm.s32 $0x3300  }
0x6: {  	s15 =	simm.s32 $0x1;
	s16 =	simm.s32 $0x0;
	[smem:$0x7FF] =	sst s2  }
0x7: {  	s4 =	sadd.s32 $0xE00, s6;
	s7 =	sand.u32 $0x1, s3;
	s5 =	sadd.s32 $0x8E00, s6  }
0x8: {  	s3 =	stileid.u32;
	s6 =	sadd.s32 $0x9C00, s6;
	s8 =	ssub.s32 $0x2, s7  }
0x9: {  	s10 =	sshll.u32 s3, $0x6;
	s7 =	sshll.u32 s7, $0x5;
	s9 =	sshrl.u32 s8, $0x1  }
0xa: {  	_ =	strace $0x80000047;
	s7 =	sor.u32 s7, s10;
	s8 =	ssub.s32 s8, s9  }
0xb: {  	s10 =	simm.s32 $0x2;
	s9 =	simm.s32 $0x6500;
	s8 =	smax.u32 s8, $0x1  }
.LBB2_1:
0xc: {  	[tilespmem:s9], [sflag:$0x2] =	stream.linear.gather [hbm4b:s5+s2], $0x6400, $0x38;
	[tilespmem:$0xC900] =	vst v63  }
0xd: {  	_ =	swait.ge [sflag:s10], $0x6400  }
0xe: {  	[sflag:s10] =	ssyncset.done $0x0  }
0xf: {  	s17 =	simm.s32 $0x0;
	[sflag:s10] =	ssyncadd.s32 $0xFFFF9C00  }
.LBB2_2:
0x10: {  	s18 =	sadd.s32 s7, s17  }
0x11: {  	s19 =	sshll.u32 s18, $0x5  }
0x12: {  	s20 =	simm.s32 $0x0;
	s19 =	sadd.s32 s4, s19  }
0x13: {  	[tilespmem:s20], [sflag:$0x2] =	stream.linear.gather [hbm4b:s19+s20], $0x100, $0x38;
	[tilespmem:$0xC900] =	vst v63  }
0x14: {  	_ =	swait.ge [sflag:s10], $0x100  }
0x15: {  	[sflag:s10] =	ssyncset.done $0x0  }
0x16: {  	[sflag:s10] =	ssyncadd.s32 $0xFFFFFF00  }
0x17: {  	[tilespmem:s12], [sflag:$0x1] =	stream.indirect.gather [hbm4b:s1+s11], $0x80, s20, s11, $0xb8;
	[tilespmem:$0xC900] =	vst v63  }
0x18: {  	_ = 	snop  }
0x19: {  	[tilespmem:s14], [sflag:$0x1] =	stream.indirect.gather [hbm4b:s1+s11], $0x80, s13, s11, $0xb8;
	[tilespmem:$0xC900] =	vst v63  }
0x1a: {  	_ =	swait.ge [sflag:s15], $0x3200  }
0x1b: {  	[sflag:s15] =	ssyncset.done $0x0  }
0x1c: {  	[sflag:s15] =	ssyncadd.s32 $0xFFFFCE00  }
0x1d: {  	_ =	swait.ge [sflag:s15], $0x3200  }
0x1e: {  	[sflag:s15] =	ssyncset.done $0x0  }
0x1f: {  	s19 =	simm.s32 $0x0;
	[sflag:s15] =	ssyncadd.s32 $0xFFFFCE00  }
0x20: {  	v0 =	vld [tilespmem:s19+$0x65F0]  }
0x21: {  	v1 =	vld [tilespmem:s19+$0x6500]  }
0x22: {  	v2 =	vld [tilespmem:s19+$0x6510]  }
0x23: {  	v3 =	vld [tilespmem:s19+$0x6520]  }
0x24: {  	v4 =	vld [tilespmem:s19+$0x6530]  }
0x25: {  	v5 =	vld [tilespmem:s19+$0x6540]  }
0x26: {  	v6 =	vld [tilespmem:s19+$0x6550]  }
0x27: {  	v7 =	vld [tilespmem:s19+$0x6560]  }
0x28: {  	v8 =	vld [tilespmem:s19+$0x6570]  }
0x29: {  	v9 =	vld [tilespmem:s19+$0x6580]  }
0x2a: {  	v10 =	vld [tilespmem:s19+$0x6590]  }
0x2b: {  	v11 =	vld [tilespmem:s19+$0x65A0]  }
0x2c: {  	v12 =	vld [tilespmem:s19+$0x65B0]  }
0x2d: {  	v13 =	vld [tilespmem:s19+$0x65C0]  }
0x2e: {  	v14 =	vld [tilespmem:s19+$0x65D0]  }
0x2f: {  	[tilespmem:s19+$0x1F0] =	vst.add.f32.msk $0xffff, v0  }
0x30: {  	v0 =	vld [tilespmem:s19+$0x65E0]  }
0x31: {  	[tilespmem:s19+$0x100] =	vst.add.f32.msk $0xffff, v1  }
0x32: {  	[tilespmem:s19+$0x110] =	vst.add.f32.msk $0xffff, v2  }
0x33: {  	[tilespmem:s19+$0x120] =	vst.add.f32.msk $0xffff, v3  }
0x34: {  	[tilespmem:s19+$0x130] =	vst.add.f32.msk $0xffff, v4  }
0x35: {  	[tilespmem:s19+$0x140] =	vst.add.f32.msk $0xffff, v5  }
0x36: {  	[tilespmem:s19+$0x150] =	vst.add.f32.msk $0xffff, v6  }
0x37: {  	[tilespmem:s19+$0x160] =	vst.add.f32.msk $0xffff, v7  }
0x38: {  	[tilespmem:s19+$0x170] =	vst.add.f32.msk $0xffff, v8  }
0x39: {  	[tilespmem:s19+$0x180] =	vst.add.f32.msk $0xffff, v9  }
0x3a: {  	[tilespmem:s19+$0x190] =	vst.add.f32.msk $0xffff, v10  }
0x3b: {  	[tilespmem:s19+$0x1A0] =	vst.add.f32.msk $0xffff, v11  }
0x3c: {  	[tilespmem:s19+$0x1B0] =	vst.add.f32.msk $0xffff, v12  }
0x3d: {  	[tilespmem:s19+$0x1C0] =	vst.add.f32.msk $0xffff, v13  }
0x3e: {  	s21 =	simm.s32 $0x400;
	s20 =	simm.s32 $0x0;
	[tilespmem:s19+$0x1D0] =	vst.add.f32.msk $0xffff, v14  }
.LBB2_3:
0x3f: {  	s20 =	sadd.s32 $0x2, s20;
	[tilespmem:s19+$0x1E0] =	vst.add.f32.msk $0xffff, v0;
	s19 =	sshra.s32 s21, $0x2  }
0x40: {  	v0 =	vld [tilespmem:s19+$0x65F0];
	p0 =	slt.u32 s20, $0xC6  }
0x41: {  	v1 =	vld [tilespmem:s19+$0x6500]  }
0x42: {  	v2 =	vld [tilespmem:s19+$0x6510]  }
0x43: {  	v3 =	vld [tilespmem:s19+$0x6520]  }
0x44: {  	v4 =	vld [tilespmem:s19+$0x6530]  }
0x45: {  	[tilespmem:s19+$0x1F0] =	vst.add.f32.msk $0xffff, v0  }
0x46: {  	v5 =	vld [tilespmem:s19+$0x6540]  }
0x47: {  	v6 =	vld [tilespmem:s19+$0x6550]  }
0x48: {  	v7 =	vld [tilespmem:s19+$0x6560]  }
0x49: {  	v8 =	vld [tilespmem:s19+$0x6570]  }
0x4a: {  	v9 =	vld [tilespmem:s19+$0x6580]  }
0x4b: {  	v10 =	vld [tilespmem:s19+$0x6590]  }
0x4c: {  	v11 =	vld [tilespmem:s19+$0x65A0]  }
0x4d: {  	v12 =	vld [tilespmem:s19+$0x65B0]  }
0x4e: {  	v13 =	vld [tilespmem:s19+$0x65C0]  }
0x4f: {  	v14 =	vld [tilespmem:s19+$0x65D0]  }
0x50: {  	v0 =	vld [tilespmem:s19+$0x65E0]  }
0x51: {  	[tilespmem:s19+$0x100] =	vst.add.f32.msk $0xffff, v1  }
0x52: {  	[tilespmem:s19+$0x110] =	vst.add.f32.msk $0xffff, v2  }
0x53: {  	[tilespmem:s19+$0x120] =	vst.add.f32.msk $0xffff, v3  }
0x54: {  	[tilespmem:s19+$0x130] =	vst.add.f32.msk $0xffff, v4  }
0x55: {  	[tilespmem:s19+$0x140] =	vst.add.f32.msk $0xffff, v5  }
0x56: {  	[tilespmem:s19+$0x150] =	vst.add.f32.msk $0xffff, v6  }
0x57: {  	[tilespmem:s19+$0x160] =	vst.add.f32.msk $0xffff, v7  }
0x58: {  	[tilespmem:s19+$0x170] =	vst.add.f32.msk $0xffff, v8  }
0x59: {  	[tilespmem:s19+$0x180] =	vst.add.f32.msk $0xffff, v9  }
.Ltmp0:
0x5a: {  	[tilespmem:s19+$0x190] =	vst.add.f32.msk $0xffff, v10;
	(pc) =	sbr.rel @p0 .LBB2_3-.Ltmp0, $4  }
0x5b: {  	[tilespmem:s19+$0x1A0] =	vst.add.f32.msk $0xffff, v11  }
0x5c: {  	[tilespmem:s19+$0x1B0] =	vst.add.f32.msk $0xffff, v12  }
0x5d: {  	[tilespmem:s19+$0x1C0] =	vst.add.f32.msk $0xffff, v13  }
0x5e: {  	s21 =	sadd.s32 $0x400, s21;
	[tilespmem:s19+$0x1D0] =	vst.add.f32.msk $0xffff, v14  }
0x5f: {  	s18 =	smul.u32 $0xC80, s18;
	s17 =	sadd.s32 $0x1, s17  }
0x60: {  	p0 =	sne.s32 s17, $0x20  }
.Ltmp1:
0x61: {  	[tilespmem:s19+$0x1E0] =	vst.add.f32.msk $0xffff, v0;
	s18 =	sadd.s32 s6, s18;
	(pc) =	sbr.rel @p0 .LBB2_2-.Ltmp1, $4  }
0x62: {  	[hbm4b:s18+s2] =	stream.linear.scatter [tilespmem:s12], [sflag:$0x2], $0x6400, $0x38;
	[tilespmem:$0xC900] =	vst v63  }
0x63: {  	_ =	swait.ge [sflag:s10], $0x6400  }
0x64: {  	[sflag:s10] =	ssyncset.done $0x0  }
0x65: {  	[sflag:s10] =	ssyncadd.s32 $0xFFFF9C00  }
0x66: {  	s16 =	sadd.s32 $0x1, s16  }
0x67: {  	p0 =	sne.s32 s16, s8  }
.Ltmp2:
0x68: {  	_ = 	snop;
	(pc) =	sbr.rel @p0 .LBB2_1-.Ltmp2, $1  }
0x69: {  	_ =	sdelay $0x3  }
0x6a: {  	_ =	sfence.sel $0x180000  }
0x6b: {  	[bflag:$0x0] =	sbarrier.arrive $0xFFFF  }
0x6c: {  	p0 =	sne.s32 s3, $0x0;
	_ =	strace $0x90000047  }
0x6d: {  	s0 =	sadd.s32 @!p0 $0x100000, s0;
	[bflag:$0x2] =	sbarrier.arrive $0xFFFF  }
0x6e: {  	[sflag:s0] =	ssyncadd.tile.s32 @!p0 $0x1;
	_ =	shalt  }
.Lfunc_end2:
_tile_overlayer_lowered:
.L_overlay_start_2:
0x6f: {  	(tag) =	ssettag $0x2  }
0x70: {  	s0 =	rddreg [dreg:$0x0];
	s2 =	stileid.u32  }
0x71: {  	s1 =	rddreg [dreg:$0x1];
	p0 =	sne.s32 s2, $0x0  }
0x72: {  	s3 =	rddreg [dreg:$0x2];
	[bflag:$0x3] =	sbarrier.arrive $0xFFFF;
	s2 =	simm.s32 @!p0 $0x1C02  }
0x73: {  	[timem:s3], [sflag:s2] =	dma.local @!p0 [hbm:s0], s1  }
0x74: {  	s0 =	simm.s32 @!p0 $0x2  }
0x75: {  	_ =	swait.ge @!p0 [sflag:s0], s1  }
0x76: {  	s1 =	ssub.s32 @!p0 $0x0, s1;
	[sflag:s0] =	ssyncset.done @!p0 $0x0  }
0x77: {  	[sflag:s0] =	ssyncadd.s32 @!p0 s1  }
0x78: {  	[bflag:$0x3] =	sbarrier.arrive $0xFFFF  }
0x79: {  	_ =	shalt  }

// kernel: sparse-core-data-format-call.cloned.1.call-start
scs
called_computation_lowered:
.L_overlay_start_0:
0x0: {  	s2 =	sld [smem:$0x3FD9]  }
0x1: {  	s3 =	sld [smem:$0x3FFE];
	_ =	sdelay $0x1  }
0x2: {  	s1 =	srdreg.scid  }
0x3: {  	s0 =	sand.u32 $0x1, s1  }
0x4: {  	s18 =	sshll.u32 s0, $0xA;
	s2 =	sadd.s32 s3, s2  }
0x5: {  	s2 =	sadd.s32 s2, s18  }
0x6: {  	[smem:$0x3FC4] =	sst s2  }
0x7: {  	_ = 	snop  }
0x8: {  	s2 =	sld [smem:$0x3FD0];
	(tm) =	ssettm $0x1  }
0x9: {  	s19 =	sld [smem:$0x3FFB];
	_ =	sdelay $0x3  }
0xa: {  	_ =	strace s19  }
0xb: {  	s3 =	sld [smem:$0x3FFC];
	_ =	sdelay $0x3  }
0xc: {  	_ =	strace s3  }
0xd: {  	s3 =	sld [smem:$0x3FFD];
	_ =	sdelay $0x3  }
0xe: {  	_ =	strace s3  }
0xf: {  	_ =	strace $0x8FFFFFFF  }
0x10: {  	s20 =	sld [smem:$0x3FDB];
	_ =	sdelay $0x1  }
0x11: {  	s4 =	simm.s32 $_scs_section_size  }
0x12: {  	s5 =	simm.s32 $_size__tile_overlayer_lowered;
	s6 =	simm.s32 $_tile_overlayer_lowered  }
0x13: {  	s23 =	simm.s32 $0x1BFF;
	s22 =	sshll.u32 s6, $0x1;
	s3 =	sadd.s32 s4, s20  }
0x14: {  	s7 =	simm.s32 $0x0;
	s21 =	sshll.u32 s5, $0x1;
	s5 =	sadd.s32 s22, s3  }
0x15: {  	[timem:s7], [sflag:s23] =	dma.local [hbm:s5], s21  }
0x16: {  	_ =	swait.ge [sflag:s23], s21  }
0x17: {  	s4 =	ssub.s32 $0x0, s21;
	[sflag:s23] =	ssyncset.done $0x0  }
0x18: {  	[sflag:s23] =	ssyncadd.s32 s4;
	_ =	sdelay $0x1  }
0x19: {  	s24 =	simm.s32 $0x1B8B  }
0x1a: {  	_ =	swait.ge [sflag:s24], $0x1  }
0x1b: {  	[sflag:s24] =	ssyncset.done $0x0  }
0x1c: {  	s26 =	simm.s32 $0x1B8E;
	s25 =	sld [smem:$0x3FFE];
	[sflag:s24] =	ssyncadd.s32 $0xFFFFFFFF  }
0x1d: {  	s27 =	simm.s32 $execute0_lowered;
	[smem:$0x3FD2] =	sst s26  }
0x1e: {  	s5 =	sshll.u32 s27, $0x1;
	_ =	strace $0x80000049;
	[dreg:$0x1] =	wrdreg $0xFFFFFFFF  }
0x1f: {  	s28 =	simm.s32 $_size_execute0_lowered;
	s3 =	sadd.s32 s3, s5;
	[dreg:$0x0] =	wrdreg $0x0  }
0x20: {  	s5 =	sshll.u32 s28, $0x1;
	[dreg:$0x2] =	wrdreg s3  }
0x21: {  	[dreg:$0x3] =	wrdreg s5  }
0x22: {  	[dreg:$0x4] =	wrdreg $0xC0  }
0x23: {  	_ =	task [dreg:s7], $0x5FFFF  }
0x24: {  	[dreg:$0x1] =	wrdreg $0xFFFFFFFF  }
0x25: {  	[dreg:$0x0] =	wrdreg $0x60  }
0x26: {  	[dreg:$0x2] =	wrdreg s25  }
0x27: {  	[dreg:$0x3] =	wrdreg s2  }
0x28: {  	[dreg:$0x4] =	wrdreg $0x9  }
0x29: {  	_ =	task.clear_ibuf [dreg:s7], $0x5FFFF;
	_ =	strace $0x90000049  }
0x2a: {  	s29 =	simm.s32 $0x9;
	_ =	strace $0x8000004B  }
0x2b: {  	_ =	swait.ge [sflag:s29], $0x1  }
0x2c: {  	[sflag:s29] =	ssyncadd.s32 $0xFFFFFFFF  }
0x2d: {  	_ =	strace $0x9000004B  }
0x2e: {  	_ =	sfence  }
0x2f: {  	s30 =	sld [smem:$0x0];
	_ =	sdelay $0x2  }
0x30: {  	s31 =	sshll.u32 s1, $0xD;
	s1 =	sshrl.u32 s1, $0x2  }
0x31: {  	s3 =	sand.u32 $0x4000, s31;
	s1 =	sadd.s32 s1, s30  }
0x32: {  	s0 =	sor.u32 s3, s0;
	s1 =	sshll.u32 s1, $0x11  }
0x33: {  	s0 =	sor.u32 s1, s0  }
0x34: {  	s0 =	sadd.s32 $0x8F2B, s0  }
0x35: {  	[sflag:s0] =	ssyncadd.remote.s32 $0x1  }
0x36: {  	_ =	sfence.sel $0xFFFF  }
0x37: {  	[dreg:$0x0] =	wrdreg $0xFFFFFFFF;
	(pc) =	sbr.abs _section_cstart, $3  }
0x38: {  	[dreg:$0x1] =	wrdreg $0xFFFFFFFF  }
0x39: {  	_ =	task.clear_ibuf [dreg:s7], $0x2FFFF;
	_ =	strace $0x9FFFFFFF  }
0x3a: {  	(tm) =	ssettm $0x7FFFFFFF  }
0x3b: {  	_ =	shalt  }
tec
execute0_lowered:
.L_overlay_start_1:
0x0: {  	(tag) =	ssettag $0x1  }
0x1: {  	s4 =	rddreg [dreg:$0x0]  }
0x2: {  	s0 =	stileid.u32;
	s2 =	rddreg [dreg:$0x1]  }
0x3: {  	s7 =	srdreg.scid;
	s8 =	simm.s32 $0x2;
	s16 =	simm.s32 $0x0  }
0x4: {  	s9 =	simm.s32 $0x32000;
	s15 =	simm.s32 $0x0;
	s1 =	sshll.u32 s0, $0x7  }
0x5: {  	s10 =	simm.s32 $0x0;
	s11 =	simm.s32 $0x0;
	s3 =	sand.u32 $0x380, s1  }
0x6: {  	s14 =	simm.s32 $0x0;
	s7 =	sshll.u32 s7, $0x4;
	s5 =	ssub.s32 $0x400, s3  }
0x7: {  	s4 =	sadd.s32 $0x9C00, s4;
	s1 =	rddreg [dreg:$0x2];
	s6 =	sand.u32 $0x380, s5  }
0x8: {  	s7 =	sand.u32 $0x10, s7;
	p0 =	sne.s32 s6, $0x0;
	s6 =	simm.s32 $0x1  }
.Ltmp0:
0x9: {  	s5 =	sshrl.u32 s5, $0xA;
	s6 =	simm.s32 @!p0 $0x0;
	(pc) =	sbr.rel .LBB1_1-.Ltmp0, $4  }
0xa: {  	_ =	strace $0x8000004A;
	s7 =	sor.u32 s0, s7;
	s6 =	sadd.s32 s6, s5  }
0xb: {  	s7 =	sshrl.u32 s7, $0x3;
	s5 =	simm.s32 $0x1;
	s6 =	smul.u32 $0x32, s6  }
0xc: {  	s13 =	smov.u32 s3;
	s12 =	smov.u32 s7;
	[sflag:s5] =	ssyncpa.u1 $0x0  }
0xd: {  	p0 =	por $0x0, $0x0;
	[sflag:s8] =	ssyncpa.u1 $0x0;
	s8 =	sor.u32 $0x1, s6  }
.LBB1_4:
0xe: {  	s21 =	sshra.s32 s21, $0x2;
	s27 =	sshll.u32 s10, $0xA;
	s22 =	sshll.u32 s11, $0x3  }
0xf: {  	s23 =	sshll.u32 s10, $0x7;
	s24 =	sand.u32 $0x78, s11;
	p1 =	sgt.s32 s10, $0xC7  }
0x10: {  	s25 =	sshra.s32 s10, $0x1F;
	s26 =	sshra.s32 s11, $0x1F;
	s20 =	sadd.s32 s21, s20  }
0x11: {  	v5 =	vld [tilespmem:s18+$0xFFFFFFD0];
	[tilespmem:s19+$0x2040 ss:$0x81] =	vst.msk $0xffff, v4;
	s21 =	sand.u32 $0xFFFFE000, s27;
	s22 =	sand.u32 $0xFFFFFC00, s22;
	s28 =	sand.u32 $0x380, s23  }
0x12: {  	v58 =	vld [tilespmem:s18+$0xFFFFFFE0];
	[tilespmem:s19+$0x2850 ss:$0x81] =	vst.msk $0xffff, v3;
	s23 =	smov.u32 s10;
	s30 =	sand.u32 s25, s10;
	s25 =	smov.u32 s11  }
0x13: {  	v59 =	vld [tilespmem:s18+$0xFFFFFFF0];
	[tilespmem:s19+$0x3060 ss:$0x81] =	vst.msk $0xffff, v2;
	s31 =	sand.u32 s26, s11;
	s21 =	sadd.s32 s22, s21;
	s22 =	sor.u32 s24, s28  }
0x14: {  	v60 =	vld [tilespmem:s18+$0x0];
	[tilespmem:s19+$0x0 ss:$0x81] =	vst.msk $0xffff, v1;
	s23 =	simm.s32 @!p1 $0xC7;
	p1 =	sgt.s32 s11, $0x380;
	s21 =	sshrl.u32 s21, $0xA  }
0x15: {  	v61 =	vld [tilespmem:s18+$0x10];
	[tilespmem:s20+$0x3870 ss:$0x81] =	vst.msk $0xffff, v0;
	s19 =	ssub.s32 s23, s30;
	s25 =	simm.s32 @!p1 $0x380;
	s29 =	smulhi.u32 $0x147AE15, s21  }
0x16: {  	v62 =	vld [tilespmem:s18+$0x20];
	s23 =	ssub.s32 s25, s31;
	s26 =	ssub.s32 $0xC8, s19;
	s27 =	sadd.s32 $0xFFFFFF39, s19;
	[tilespmem:s20+$0x810 ss:$0x81] =	vst.msk $0xffff, v5  }
0x17: {  	v63 =	vld [tilespmem:s18+$0xFFFFFFC0];
	[tilespmem:s20+$0x1020 ss:$0x81] =	vst.msk $0xffff, v58;
	s19 =	smul.u32 $0x64, s26;
	s28 =	sadd.s32 $0xFFFFFC80, s23;
	p1 =	sgt.s32 s27, $0x0  }
0x18: {  	[tilespmem:s20+$0x1830 ss:$0x81] =	vst.msk $0xffff, v59;
	s18 =	ssub.s32 $0x400, s23;
	s24 =	smul.u32 $0xC8, s29;
	p2 =	sgt.s32 s28, $0x7F  }
0x19: {  	s30 =	sand.u32 $0x7, s11;
	[tilespmem:s20+$0x2040 ss:$0x81] =	vst.msk $0xffff, v60;
	s19 =	simm.s32 @p1 $0x0;
	s18 =	simm.s32 @p2 $0x0  }
0x1a: {  	[tilespmem:s20+$0x2850 ss:$0x81] =	vst.msk $0xffff, v61;
	s29 =	sshrl.u32 s22, $0x3;
	s21 =	ssub.s32 s21, s24;
	s18 =	smul.u32 s18, s19  }
0x1b: {  	[tilespmem:s20+$0x3060 ss:$0x81] =	vst.msk $0xffff, v62;
	s22 =	sshll.u32 s30, $0x12;
	s19 =	sadd.s32 s2, s29;
	s21 =	sshll.u32 s21, $0x7  }
0x1c: {  	[tilespmem:s20+$0x0 ss:$0x81] =	vst.msk $0xffff, v63;
	s31 =	sor.u32 $0x80, s22;
	s18 =	sand.u32 $0x3FFFFFFC, s18;
	s19 =	sadd.s32 s21, s19  }
0x1d: {  	[hbm4b:s19+s31] =	stream.strided.scatter [tilespmem:s17], [sflag:$0x2], s18, s9, s31, $0x20;
	[tilespmem:$0x10100] =	vst v63  }
.LBB1_5:
0x1e: {  	p1 =	slt.u32 s14, $0x2  }
0x1f: {  	s18 =	smov.u32 s16;
	p2 =	sgt.s32 @!p1 s16, $0xC7;
	s17 =	sshra.s32 @!p1 s16, $0x1F  }
0x20: {  	p3 =	sgt.s32 @!p1 s15, $0x380;
	s19 =	sshra.s32 @!p1 s15, $0x1F;
	p2 =	por !p2, p1  }
0x21: {  	s16 =	sand.u32 @!p1 s17, s16;
	p3 =	por !p3, p1;
	s17 =	smov.u32 s15  }
0x22: {  	s15 =	sand.u32 @!p1 s19, s15;
	s18 =	simm.s32 @p2 $0xC7;
	s17 =	simm.s32 @p3 $0x380  }
0x23: {  	s19 =	smov.u32 s13;
	s16 =	ssub.s32 @!p1 s18, s16;
	s15 =	ssub.s32 @!p1 s17, s15  }
0x24: {  	s17 =	sadd.s32 @!p1 $0xFFFFFF39, s16;
	s16 =	ssub.s32 @!p1 $0xC8, s16;
	s18 =	sadd.s32 @!p1 $0xFFFFFC80, s15  }
0x25: {  	p2 =	sgt.s32 @!p1 s17, $0x0;
	s16 =	smul.u32 @!p1 $0x64, s16;
	p3 =	sgt.s32 @!p1 s18, $0x7F  }
0x26: {  	s15 =	ssub.s32 @!p1 $0x400, s15;
	p2 =	por !p2, p1;
	p3 =	por !p3, p1  }
0x27: {  	s17 =	sadd.s32 $0x4, s12;
	s16 =	simm.s32 @!p2 $0x0;
	s15 =	simm.s32 @!p3 $0x0  }
0x28: {  	p2 =	sgt.s32 s17, $0xC7;
	s15 =	smul.u32 @!p1 s15, s16;
	s16 =	sadd.s32 $0x400, s13  }
0x29: {  	s19 =	smov.u32 @p2 s16  }
0x2a: {  	s17 =	smov.u32 @p2 s7;
	p2 =	sgt.s32 s19, $0x3FF  }
0x2b: {  	s19 =	smov.u32 @p2 s3;
	p2 =	sne.s32 s14, s8  }
.Ltmp1:
0x2c: {  	p0 =	por !p0, !p0;
	s18 =	simm.s32 @!p1 $0x2;
	(pc) =	sbr.rel @!p2 .LBB1_6-.Ltmp1, $4  }
0x2d: {  	s16 =	smov.u32 s10;
	s10 =	smov.u32 s12;
	s15 =	sand.u32 @!p1 $0x3FFFFFFC, s15  }
0x2e: {  	s12 =	smov.u32 s17;
	_ =	swait.ge @!p1 [sflag:s18], s15;
	s20 =	ssub.s32 @!p1 $0x0, s15  }
0x2f: {  	s15 =	smov.u32 s11;
	s14 =	sadd.s32 $0x1, s14;
	[sflag:s18] =	ssyncset.done @!p1 $0x0  }
0x30: {  	s11 =	smov.u32 s13;
	s13 =	smov.u32 s19;
	[sflag:s18] =	ssyncadd.s32 @!p1 s20  }
.LBB1_1:
0x31: {  	p1 =	sge.u32 s14, s6  }
0x32: {  	s17 =	sand.u32 @!p1 $0x1FFFFFF, s12  }
0x33: {  	s18 =	smulhi.u32 @!p1 $0x147AE15, s17;
	_ =	sdelay $0x1  }
0x34: {  	s18 =	smul.u32 @!p1 $0xC8, s18  }
0x35: {  	s19 =	sxor.u32 @!p1 $0xFFFFFFFF, s14;
	s20 =	smul.u32 @!p1 $0xC80, s13  }
0x36: {  	s31 =	sadd.s32 $0xFFFFFFFF, s14;
	s19 =	sshll.u32 @!p1 s19, $0xE;
	s17 =	ssub.s32 @!p1 s17, s18  }
0x37: {  	s18 =	sand.u32 @!p1 $0x4000, s19;
	s19 =	sadd.s32 @!p1 s4, s20;
	s17 =	sshll.u32 @!p1 s17, $0x4  }
0x38: {  	s20 =	simm.s32 @!p1 $0x6400;
	s17 =	sadd.s32 @!p1 s17, s19;
	s19 =	simm.s32 @!p1 $0x80  }
0x39: {  	[tilespmem:s18], [sflag:$0x1] =	stream.strided.gather @!p1 [hbm4b:s17+s19], $0x4000, s20, s19, $0x38;
	[tilespmem:$0x10100] =	vst v63  }
0x3a: {  	p1 =	sge.u32 s31, s6  }
.Ltmp2:
0x3b: {  	_ = 	snop;
	(pc) =	sbr.rel @p1 .LBB1_5-.Ltmp2, $1  }
0x3c: {  	_ =	sdelay $0x3  }
0x3d: {  	s17 =	simm.s32 $0x1  }
0x3e: {  	_ =	swait.ge [sflag:s5], $0x4000;
	s17 =	simm.s32 @!p0 $0x0  }
0x3f: {  	[sflag:s5] =	ssyncset.done $0x0;
	s18 =	sshll.u32 s17, $0xE  }
0x40: {  	[sflag:s5] =	ssyncadd.s32 $0xFFFFC000;
	s18 =	sor.u32 $0x40, s18  }
0x41: {  	s17 =	smul.u32 $0x10200, s17;
	v0 =	vld [tilespmem:s18+$0x30]  }
0x42: {  	v1 =	vld [tilespmem:s18+$0xFFFFFFD0]  }
0x43: {  	s17 =	sshrl.u32 s17, $0x2;
	v5 =	vld [tilespmem:s18+$0xFFFFFFE0]  }
0x44: {  	v6 =	vld [tilespmem:s18+$0xFFFFFFF0];
	s20 =	sor.u32 $0x8000, s17  }
0x45: {  	s31 =	sand.u32 $0x1, s14;
	v4 =	vld [tilespmem:s18+$0x0];
	s19 =	sadd.s32 $0x0, s20  }
0x46: {  	v3 =	vld [tilespmem:s18+$0x10];
	s17 =	smul.u32 $0x10200, s31;
	[tilespmem:s19+$0x3870 ss:$0x81] =	vst.msk $0xffff, v0  }
0x47: {  	v2 =	vld [tilespmem:s18+$0x20];
	[tilespmem:s19+$0x810 ss:$0x81] =	vst.msk $0xffff, v1  }
0x48: {  	s17 =	sshrl.u32 s17, $0x2;
	v1 =	vld [tilespmem:s18+$0xFFFFFFC0];
	[tilespmem:s19+$0x1020 ss:$0x81] =	vst.msk $0xffff, v5;
	s18 =	sadd.s32 $0x80, s18  }
0x49: {  	s21 =	simm.s32 $0x4;
	s22 =	simm.s32 $0x8;
	s17 =	sor.u32 $0x8000, s17;
	[tilespmem:s19+$0x1830 ss:$0x81] =	vst.msk $0xffff, v6;
	v0 =	vld [tilespmem:s18+$0x30]  }
.LBB1_3:
0x4a: {  	p1 =	sne.s32 s22, $0x1FC;
	v5 =	vld [tilespmem:s18+$0xFFFFFFD0];
	[tilespmem:s19+$0x2040 ss:$0x81] =	vst.msk $0xffff, v4  }
0x4b: {  	v6 =	vld [tilespmem:s18+$0xFFFFFFE0];
	[tilespmem:s19+$0x2850 ss:$0x81] =	vst.msk $0xffff, v3  }
0x4c: {  	s23 =	sshra.s32 s21, $0x2;
	s21 =	smov.u32 s22;
	v7 =	vld [tilespmem:s18+$0xFFFFFFF0];
	[tilespmem:s19+$0x3060 ss:$0x81] =	vst.msk $0xffff, v2  }
.Ltmp3:
0x4d: {  	v4 =	vld [tilespmem:s18+$0x0];
	[tilespmem:s19+$0x0 ss:$0x81] =	vst.msk $0xffff, v1;
	s19 =	sadd.s32 s23, s20;
	(pc) =	sbr.rel @p1 .LBB1_3-.Ltmp3, $4  }
0x4e: {  	v3 =	vld [tilespmem:s18+$0x10];
	[tilespmem:s19+$0x3870 ss:$0x81] =	vst.msk $0xffff, v0  }
0x4f: {  	[tilespmem:s19+$0x810 ss:$0x81] =	vst.msk $0xffff, v5;
	v2 =	vld [tilespmem:s18+$0x20]  }
0x50: {  	v1 =	vld [tilespmem:s18+$0xFFFFFFC0];
	[tilespmem:s19+$0x1020 ss:$0x81] =	vst.msk $0xffff, v6;
	s18 =	sadd.s32 $0x80, s18  }
0x51: {  	s22 =	sadd.s32 $0x4, s22;
	v0 =	vld [tilespmem:s18+$0x30];
	[tilespmem:s19+$0x1830 ss:$0x81] =	vst.msk $0xffff, v7  }
.Ltmp4:
0x52: {  	_ = 	snop;
	(pc) =	sbr.rel .LBB1_4-.Ltmp4, $1  }
0x53: {  	_ =	sdelay $0x3  }
.LBB1_6:
0x54: {  	_ =	sfence.sel $0x180000  }
0x55: {  	s2 =	simm.s32 $0x1;
	[bflag:$0x0] =	sbarrier.arrive $0xFFFF  }
0x56: {  	s31 =	simm.s32 $0x2;
	[sflag:s2] =	ssyncpa.u1 $0x1  }
0x57: {  	[sflag:s31] =	ssyncpa.u1 $0x1  }
0x58: {  	p0 =	sne.s32 s0, $0x0;
	_ =	strace $0x9000004A  }
0x59: {  	s0 =	sadd.s32 @!p0 $0x100000, s1;
	[bflag:$0x2] =	sbarrier.arrive $0xFFFF  }
0x5a: {  	[sflag:s0] =	ssyncadd.tile.s32 @!p0 $0x1;
	_ =	shalt  }
.Lfunc_end1:
_tile_overlayer_lowered:
.L_overlay_start_2:
0x5b: {  	(tag) =	ssettag $0x2  }
0x5c: {  	s0 =	rddreg [dreg:$0x0];
	s2 =	stileid.u32  }
0x5d: {  	s1 =	rddreg [dreg:$0x1];
	p0 =	sne.s32 s2, $0x0  }
0x5e: {  	s3 =	rddreg [dreg:$0x2];
	[bflag:$0x3] =	sbarrier.arrive $0xFFFF;
	s2 =	simm.s32 @!p0 $0x1C01  }
0x5f: {  	[timem:s3], [sflag:s2] =	dma.local @!p0 [hbm:s0], s1  }
0x60: {  	s0 =	simm.s32 @!p0 $0x1  }
0x61: {  	_ =	swait.ge @!p0 [sflag:s0], s1  }
0x62: {  	s1 =	ssub.s32 @!p0 $0x0, s1;
	[sflag:s0] =	ssyncset.done @!p0 $0x0  }
0x63: {  	[sflag:s0] =	ssyncadd.s32 @!p0 s1  }
0x64: {  	[bflag:$0x3] =	sbarrier.arrive $0xFFFF  }
0x65: {  	_ =	shalt  }

</sc_bundles>
